<compile_context>
chip_gen: v7x
topology: tpu7x:2x2x1
jax: 0.10.2.dev20260603
libtpu: 0.0.44.dev20260713+nightly
codegen_flags: <defaults>
</compile_context>

<pallas_src>
import functools

import jax
import jax.numpy as jnp
from jax import lax
from jax.experimental import pallas as pl
from jax.experimental.pallas import tpu as pltpu
from jax.experimental.pallas import tpu_sc as plsc

B = 16384
F = 100
NFEAT = 1000000

NC = 2
NS = 16
NW = NC * NS
ROWS_W = B // NW
CHUNK = 64
NCHUNK = ROWS_W // CHUNK
CW = CHUNK * F
NJ = CHUNK // 16


def _build_sc_lr():
    mesh = plsc.VectorSubcoreMesh(core_axis_name="c", subcore_axis_name="s")

    @functools.partial(
        pl.kernel,
        mesh=mesh,
        compiler_params=pltpu.CompilerParams(
            needs_layout_passes=False, use_tc_tiling_on_sc=False
        ),
        out_type=jax.ShapeDtypeStruct((B,), jnp.float32),
        scratch_types=[
            pltpu.VMEM((CW,), jnp.int32),
            pltpu.VMEM((CW,), jnp.int32),
            pltpu.VMEM((CW,), jnp.float32),
            pltpu.VMEM((CW,), jnp.float32),
            pltpu.VMEM((CW,), jnp.float32),
            pltpu.VMEM((CW,), jnp.float32),
            pltpu.VMEM((CHUNK,), jnp.float32),
            pltpu.VMEM((16384,), jnp.float32),
            pltpu.VMEM_SHARED((NFEAT,), jnp.float32),
            pltpu.SemaphoreType.DMA,
            pltpu.SemaphoreType.DMA,
        ],
    )
    def k(ids_hbm, vals_hbm, w_hbm, out_hbm,
          ids_v0, ids_v1, vals_v0, vals_v1, emb_v0, emb_v1, acc_v, stg_v,
          w_sh, sem0, sem1):
        wid = lax.axis_index("s") * NC + lax.axis_index("c")
        sid = lax.axis_index("s")
        lane = lax.iota(jnp.int32, 16)
        ids_b = (ids_v0, ids_v1)
        vals_b = (vals_v0, vals_v1)
        emb_b = (emb_v0, emb_v1)
        sem_b = (sem0, sem1)

        PIECE = 16384
        NPIECE = NFEAT // PIECE
        TAIL = NFEAT - NPIECE * PIECE

        def stage(kk, carry):
            p = sid + NS * kk

            @pl.when(p < NPIECE)
            def _copy_piece():
                off = pl.multiple_of(p * PIECE, 128)
                pltpu.sync_copy(w_hbm.at[pl.ds(off, PIECE)], stg_v)
                pltpu.sync_copy(stg_v, w_sh.at[pl.ds(off, PIECE)])

            return carry

        lax.fori_loop(0, (NPIECE + NS - 1) // NS, stage, 0)

        @pl.when(sid == 0)
        def _stage_tail():
            toff = pl.multiple_of(NPIECE * PIECE, 128)
            pltpu.sync_copy(
                w_hbm.at[pl.ds(toff, TAIL)], stg_v.at[pl.ds(0, TAIL)]
            )
            pltpu.sync_copy(
                stg_v.at[pl.ds(0, TAIL)], w_sh.at[pl.ds(toff, TAIL)]
            )

        plsc.subcore_barrier()

        def slab_of(c):
            return pl.multiple_of(wid * (NCHUNK * CW) + c * CW, 128)

        def fire_chunk(c):
            q = c % 2
            slab = slab_of(c)
            pltpu.sync_copy(ids_hbm.at[pl.ds(slab, CW)], ids_b[q])

            pltpu.async_copy(
                w_sh.at[ids_b[q]], emb_b[q], sem_b[q]
            )
            pltpu.sync_copy(vals_hbm.at[pl.ds(slab, CW)], vals_b[q])

        fire_chunk(0)
        for c in range(NCHUNK):
            q = c % 2
            if c + 1 < NCHUNK:
                fire_chunk(c + 1)
            pltpu.make_async_copy(
                out_hbm.at[pl.ds(0, CW)], emb_b[q], sem_b[q]
            ).wait()

            pjs = tuple(lane * F + j * 16 * F for j in range(NJ))

            def f_body(f, accs, q=q, pjs=pjs):
                out = []
                for j in range(NJ):
                    p = pjs[j] + f
                    e = plsc.load_gather(emb_b[q], [p])
                    v = plsc.load_gather(vals_b[q], [p])
                    out.append(accs[j] + e * v)
                return tuple(out)

            accs = lax.fori_loop(
                0, F, f_body, (jnp.zeros((16,), jnp.float32),) * NJ
            )
            for j in range(NJ):
                acc_v[pl.ds(j * 16, 16)] = accs[j]
            r0 = pl.multiple_of(wid * ROWS_W + c * CHUNK, CHUNK)
            pltpu.sync_copy(acc_v, out_hbm.at[pl.ds(r0, CHUNK)])

    return k


_SC_LR = _build_sc_lr()


def kernel(ids, vals, weight, bias):
    ids1 = ids.astype(jnp.int32).reshape(B * F)
    vals1 = vals.reshape(B * F)
    w1 = weight.reshape(NFEAT)
    y = _SC_LR(ids1, vals1, w1)
    return y + bias

# --- scband reference (transcript-rebuilt; emitter-appended) ---
"""Pipeline reference for scband-lrmodel-3607772529167 (READ-ONLY COPY).

The authoritative reference and input builder live on the scoring server;
editing this copy changes nothing except your own understanding.
"""

import jax, jax.numpy as jnp
import numpy as np

B = 16384
F = 100
NFEAT = 1000000

def setup_inputs(seed: int = 0) -> dict:
    key = jax.random.key(seed)
    k1, k2, k3 = jax.random.split(key, 3)
    ids = jax.random.randint(k1, (B, F), 0, NFEAT, dtype=jnp.int64)
    vals = jax.random.uniform(k2, (B, F), dtype=jnp.float32)
    weight = jax.random.normal(k3, (NFEAT, 1), dtype=jnp.float32) * 0.01
    bias = jnp.zeros((1,), dtype=jnp.float32)
    return {"ids": ids, "vals": vals, "weight": weight, "bias": bias}

def reference(ids, vals, weight, bias):
    # Sparse logistic-regression linear term:
    # gather per-feature scalar weights, scale by feature values, sum over fields.
    emb = jnp.take(weight, ids, axis=0)[..., 0]   # [B, F]
    y = jnp.sum(emb * vals, axis=1) + bias        # [B] (bias broadcast)
    return y

if __name__ == "__main__":
    import jax
    _d = setup_inputs()
    print(jax.jit(kernel)(*tuple(_d.values())))

</pallas_src>

<mosaic_0001>
#map = affine_map<(d0, d1) -> (0)>
module attributes {stable_mosaic.version = 14 : i64} {
  func.func @k(%arg0: i32, %arg1: i32, %arg2: memref<1638400xi32, #tpu.memory_space<hbm>>, %arg3: memref<1638400xf32, #tpu.memory_space<hbm>>, %arg4: memref<1000000xf32, #tpu.memory_space<hbm>>, %arg5: memref<16384xf32, #tpu.memory_space<hbm>>, %arg6: memref<6400xi32, #tpu.memory_space<vmem>>, %arg7: memref<6400xi32, #tpu.memory_space<vmem>>, %arg8: memref<6400xf32, #tpu.memory_space<vmem>>, %arg9: memref<6400xf32, #tpu.memory_space<vmem>>, %arg10: memref<6400xf32, #tpu.memory_space<vmem>>, %arg11: memref<6400xf32, #tpu.memory_space<vmem>>, %arg12: memref<64xf32, #tpu.memory_space<vmem>>, %arg13: memref<16384xf32, #tpu.memory_space<vmem>>, %arg14: memref<1000000xf32, #tpu.memory_space<vmem_shared>>, %arg15: memref<!tpu.dma_semaphore, #tpu.memory_space<semaphore_mem>>, %arg16: memref<!tpu.dma_semaphore, #tpu.memory_space<semaphore_mem>>) attributes {dimension_semantics = [#tpu.dimension_semantics<core_parallel>, #tpu.dimension_semantics<subcore_parallel>], iteration_bounds = array<i64: 2, 16>, scalar_prefetch = 0 : i64, scratch_operands = 11 : i64, tpu.core_type = #tpu.core_type<sc_vector_subcore>, window_params = [{transform_indices = #map}, {transform_indices = #map}, {transform_indices = #map}, {transform_indices = #map}]} {
    %mul3A = arith.constant 2 : i32
    %mul3A_0 = arith.muli %arg1, %mul3A : i32
    %add3A = arith.addi %mul3A_0, %arg0 : i32
    %iota3A = tpu.iota {dimensions = array<i32: 0>} : vector<16xi32>
    %scan3A = arith.constant 0 : i32
    %scan3A_1 = arith.constant 0 : i32
    %scan3A_2 = arith.constant 4 : i32
    %scan3A_3 = arith.addi %scan3A_1, %scan3A_2 : i32
    %scan3A_4 = arith.constant 1 : i32
    scf.for %scan3A_451 = %scan3A_1 to %scan3A_3 step %scan3A_4  : i32 {
      %mul3A_452 = arith.constant 16 : i32
      %mul3A_453 = arith.muli %mul3A_452, %scan3A_451 : i32
      %add3A_454 = arith.addi %arg1, %mul3A_453 : i32
      %lt3A = arith.constant 61 : i32
      %lt3A_455 = arith.cmpi slt, %add3A_454, %lt3A : i32
      %convert_element_type3A_456 = arith.extui %lt3A_455 : i1 to i32
      %cond3A_457 = arith.constant 0 : i32
      %cond3A_458 = arith.cmpi ne, %convert_element_type3A_456, %cond3A_457 : i32
      scf.if %cond3A_458 {
        %mul3A_459 = arith.constant 16384 : i32
        %mul3A_460 = arith.muli %add3A_454, %mul3A_459 : i32
        %multiple_of3A_461 = tpu.assume_multiple %mul3A_460, 128 : i32
        "tpu.region"() ({
          %run_scoped3A = tpu.sem_alloc : memref<!tpu.dma_semaphore, #tpu.memory_space<semaphore_mem>>
          %dma_start3A_462 = tpu.memref_slice %arg4[%multiple_of3A_461] : memref<1000000xf32, #tpu.memory_space<hbm>> -> memref<16384xf32, #tpu.memory_space<hbm>>
          %dma_start3A_463 = tpu.memref_slice %arg4[%multiple_of3A_461] : memref<1000000xf32, #tpu.memory_space<hbm>> -> memref<16384xf32, #tpu.memory_space<hbm>>
          tpu.enqueue_dma source(%dma_start3A_463 : memref<16384xf32, #tpu.memory_space<hbm>>) target(%arg13 : memref<16384xf32, #tpu.memory_space<vmem>>) target_semaphore(%run_scoped3A : memref<!tpu.dma_semaphore, #tpu.memory_space<semaphore_mem>>)
          %dma_wait3A_464 = tpu.memref_slice %arg4[%multiple_of3A_461] : memref<1000000xf32, #tpu.memory_space<hbm>> -> memref<16384xf32, #tpu.memory_space<hbm>>
          %dma_wait3A_465 = tpu.memref_slice %arg4[%multiple_of3A_461] : memref<1000000xf32, #tpu.memory_space<hbm>> -> memref<16384xf32, #tpu.memory_space<hbm>>
          tpu.wait_dma2 semaphore(%run_scoped3A : memref<!tpu.dma_semaphore, #tpu.memory_space<semaphore_mem>>) src(%dma_wait3A_465 : memref<16384xf32, #tpu.memory_space<hbm>>) dst(%arg13 : memref<16384xf32, #tpu.memory_space<vmem>>)
          tpu.yield
        }) : () -> ()
        "tpu.region"() ({
          %run_scoped3A = tpu.sem_alloc : memref<!tpu.dma_semaphore, #tpu.memory_space<semaphore_mem>>
          %dma_start3A_462 = tpu.memref_slice %arg14[%multiple_of3A_461] : memref<1000000xf32, #tpu.memory_space<vmem_shared>> -> memref<16384xf32, #tpu.memory_space<vmem_shared>>
          %dma_start3A_463 = tpu.memref_slice %arg14[%multiple_of3A_461] : memref<1000000xf32, #tpu.memory_space<vmem_shared>> -> memref<16384xf32, #tpu.memory_space<vmem_shared>>
          tpu.enqueue_dma source(%arg13 : memref<16384xf32, #tpu.memory_space<vmem>>) target(%dma_start3A_463 : memref<16384xf32, #tpu.memory_space<vmem_shared>>) target_semaphore(%run_scoped3A : memref<!tpu.dma_semaphore, #tpu.memory_space<semaphore_mem>>)
          %dma_wait3A_464 = tpu.memref_slice %arg14[%multiple_of3A_461] : memref<1000000xf32, #tpu.memory_space<vmem_shared>> -> memref<16384xf32, #tpu.memory_space<vmem_shared>>
          %dma_wait3A_465 = tpu.memref_slice %arg14[%multiple_of3A_461] : memref<1000000xf32, #tpu.memory_space<vmem_shared>> -> memref<16384xf32, #tpu.memory_space<vmem_shared>>
          tpu.wait_dma2 semaphore(%run_scoped3A : memref<!tpu.dma_semaphore, #tpu.memory_space<semaphore_mem>>) src(%arg13 : memref<16384xf32, #tpu.memory_space<vmem>>) dst(%dma_wait3A_465 : memref<16384xf32, #tpu.memory_space<vmem_shared>>)
          tpu.yield
        }) : () -> ()
      } else {
      }
    }
    %scan3A_5 = arith.constant 4 : i32
    %eq3A = arith.constant 0 : i32
    %eq3A_6 = arith.cmpi eq, %arg1, %eq3A : i32
    %convert_element_type3A = arith.extui %eq3A_6 : i1 to i32
    %cond3A = arith.constant 0 : i32
    %cond3A_7 = arith.cmpi ne, %convert_element_type3A, %cond3A : i32
    scf.if %cond3A_7 {
      %multiple_of3A_451 = arith.constant 999424 : i32
      %multiple_of3A_452 = tpu.assume_multiple %multiple_of3A_451, 128 : i32
      "tpu.region"() ({
        %run_scoped3A = tpu.sem_alloc : memref<!tpu.dma_semaphore, #tpu.memory_space<semaphore_mem>>
        %dma_start3A_453 = arith.constant 0 : i32
        %dma_start3A_454 = tpu.memref_slice %arg13[%dma_start3A_453] : memref<16384xf32, #tpu.memory_space<vmem>> -> memref<576xf32, #tpu.memory_space<vmem>>
        %dma_start3A_455 = tpu.memref_slice %arg4[%multiple_of3A_452] : memref<1000000xf32, #tpu.memory_space<hbm>> -> memref<576xf32, #tpu.memory_space<hbm>>
        %dma_start3A_456 = arith.constant 0 : i32
        %dma_start3A_457 = tpu.memref_slice %arg13[%dma_start3A_456] : memref<16384xf32, #tpu.memory_space<vmem>> -> memref<576xf32, #tpu.memory_space<vmem>>
        %dma_start3A_458 = tpu.memref_slice %arg4[%multiple_of3A_452] : memref<1000000xf32, #tpu.memory_space<hbm>> -> memref<576xf32, #tpu.memory_space<hbm>>
        tpu.enqueue_dma source(%dma_start3A_458 : memref<576xf32, #tpu.memory_space<hbm>>) target(%dma_start3A_457 : memref<576xf32, #tpu.memory_space<vmem>>) target_semaphore(%run_scoped3A : memref<!tpu.dma_semaphore, #tpu.memory_space<semaphore_mem>>)
        %dma_wait3A_459 = arith.constant 0 : i32
        %dma_wait3A_460 = tpu.memref_slice %arg13[%dma_wait3A_459] : memref<16384xf32, #tpu.memory_space<vmem>> -> memref<576xf32, #tpu.memory_space<vmem>>
        %dma_wait3A_461 = tpu.memref_slice %arg4[%multiple_of3A_452] : memref<1000000xf32, #tpu.memory_space<hbm>> -> memref<576xf32, #tpu.memory_space<hbm>>
        %dma_wait3A_462 = arith.constant 0 : i32
        %dma_wait3A_463 = tpu.memref_slice %arg13[%dma_wait3A_462] : memref<16384xf32, #tpu.memory_space<vmem>> -> memref<576xf32, #tpu.memory_space<vmem>>
        %dma_wait3A_464 = tpu.memref_slice %arg4[%multiple_of3A_452] : memref<1000000xf32, #tpu.memory_space<hbm>> -> memref<576xf32, #tpu.memory_space<hbm>>
        tpu.wait_dma2 semaphore(%run_scoped3A : memref<!tpu.dma_semaphore, #tpu.memory_space<semaphore_mem>>) src(%dma_wait3A_464 : memref<576xf32, #tpu.memory_space<hbm>>) dst(%dma_wait3A_463 : memref<576xf32, #tpu.memory_space<vmem>>)
        tpu.yield
      }) : () -> ()
      "tpu.region"() ({
        %run_scoped3A = tpu.sem_alloc : memref<!tpu.dma_semaphore, #tpu.memory_space<semaphore_mem>>
        %dma_start3A_453 = arith.constant 0 : i32
        %dma_start3A_454 = tpu.memref_slice %arg13[%dma_start3A_453] : memref<16384xf32, #tpu.memory_space<vmem>> -> memref<576xf32, #tpu.memory_space<vmem>>
        %dma_start3A_455 = tpu.memref_slice %arg14[%multiple_of3A_452] : memref<1000000xf32, #tpu.memory_space<vmem_shared>> -> memref<576xf32, #tpu.memory_space<vmem_shared>>
        %dma_start3A_456 = tpu.memref_slice %arg14[%multiple_of3A_452] : memref<1000000xf32, #tpu.memory_space<vmem_shared>> -> memref<576xf32, #tpu.memory_space<vmem_shared>>
        %dma_start3A_457 = arith.constant 0 : i32
        %dma_start3A_458 = tpu.memref_slice %arg13[%dma_start3A_457] : memref<16384xf32, #tpu.memory_space<vmem>> -> memref<576xf32, #tpu.memory_space<vmem>>
        tpu.enqueue_dma source(%dma_start3A_458 : memref<576xf32, #tpu.memory_space<vmem>>) target(%dma_start3A_456 : memref<576xf32, #tpu.memory_space<vmem_shared>>) target_semaphore(%run_scoped3A : memref<!tpu.dma_semaphore, #tpu.memory_space<semaphore_mem>>)
        %dma_wait3A_459 = arith.constant 0 : i32
        %dma_wait3A_460 = tpu.memref_slice %arg13[%dma_wait3A_459] : memref<16384xf32, #tpu.memory_space<vmem>> -> memref<576xf32, #tpu.memory_space<vmem>>
        %dma_wait3A_461 = tpu.memref_slice %arg14[%multiple_of3A_452] : memref<1000000xf32, #tpu.memory_space<vmem_shared>> -> memref<576xf32, #tpu.memory_space<vmem_shared>>
        %dma_wait3A_462 = tpu.memref_slice %arg14[%multiple_of3A_452] : memref<1000000xf32, #tpu.memory_space<vmem_shared>> -> memref<576xf32, #tpu.memory_space<vmem_shared>>
        %dma_wait3A_463 = arith.constant 0 : i32
        %dma_wait3A_464 = tpu.memref_slice %arg13[%dma_wait3A_463] : memref<16384xf32, #tpu.memory_space<vmem>> -> memref<576xf32, #tpu.memory_space<vmem>>
        tpu.wait_dma2 semaphore(%run_scoped3A : memref<!tpu.dma_semaphore, #tpu.memory_space<semaphore_mem>>) src(%dma_wait3A_464 : memref<576xf32, #tpu.memory_space<vmem>>) dst(%dma_wait3A_462 : memref<576xf32, #tpu.memory_space<vmem_shared>>)
        tpu.yield
      }) : () -> ()
    } else {
    }
    %barrier3A = arith.constant 0 : index
    tpu.barrier barrier_id(%barrier3A)
    %mul3A_8 = arith.constant 51200 : i32
    %mul3A_9 = arith.muli %add3A, %mul3A_8 : i32
    %add3A_10 = arith.constant 0 : i32
    %add3A_11 = arith.addi %mul3A_9, %add3A_10 : i32
    %multiple_of3A = tpu.assume_multiple %add3A_11, 128 : i32
    "tpu.region"() ({
      %run_scoped3A = tpu.sem_alloc : memref<!tpu.dma_semaphore, #tpu.memory_space<semaphore_mem>>
      %dma_start3A_451 = tpu.memref_slice %arg2[%multiple_of3A] : memref<1638400xi32, #tpu.memory_space<hbm>> -> memref<6400xi32, #tpu.memory_space<hbm>>
      %dma_start3A_452 = tpu.memref_slice %arg2[%multiple_of3A] : memref<1638400xi32, #tpu.memory_space<hbm>> -> memref<6400xi32, #tpu.memory_space<hbm>>
      tpu.enqueue_dma source(%dma_start3A_452 : memref<6400xi32, #tpu.memory_space<hbm>>) target(%arg6 : memref<6400xi32, #tpu.memory_space<vmem>>) target_semaphore(%run_scoped3A : memref<!tpu.dma_semaphore, #tpu.memory_space<semaphore_mem>>)
      %dma_wait3A_453 = tpu.memref_slice %arg2[%multiple_of3A] : memref<1638400xi32, #tpu.memory_space<hbm>> -> memref<6400xi32, #tpu.memory_space<hbm>>
      %dma_wait3A_454 = tpu.memref_slice %arg2[%multiple_of3A] : memref<1638400xi32, #tpu.memory_space<hbm>> -> memref<6400xi32, #tpu.memory_space<hbm>>
      tpu.wait_dma2 semaphore(%run_scoped3A : memref<!tpu.dma_semaphore, #tpu.memory_space<semaphore_mem>>) src(%dma_wait3A_454 : memref<6400xi32, #tpu.memory_space<hbm>>) dst(%arg6 : memref<6400xi32, #tpu.memory_space<vmem>>)
      tpu.yield
    }) : () -> ()
    %dma_start3A = arith.constant 0 : i32
    %dma_start3A_12 = tpu.memref_slice %arg14[%dma_start3A] : memref<1000000xf32, #tpu.memory_space<vmem_shared>> -> memref<1000000xf32, #tpu.memory_space<vmem_shared>>
    tpu.enqueue_indirect_dma source(%dma_start3A_12 : memref<1000000xf32, #tpu.memory_space<vmem_shared>>) target(%arg10 : memref<6400xf32, #tpu.memory_space<vmem>>) offsets(%arg6 : memref<6400xi32, #tpu.memory_space<vmem>>) semaphore(%arg15 : memref<!tpu.dma_semaphore, #tpu.memory_space<semaphore_mem>>)
    "tpu.region"() ({
      %run_scoped3A = tpu.sem_alloc : memref<!tpu.dma_semaphore, #tpu.memory_space<semaphore_mem>>
      %dma_start3A_451 = tpu.memref_slice %arg3[%multiple_of3A] : memref<1638400xf32, #tpu.memory_space<hbm>> -> memref<6400xf32, #tpu.memory_space<hbm>>
      %dma_start3A_452 = tpu.memref_slice %arg3[%multiple_of3A] : memref<1638400xf32, #tpu.memory_space<hbm>> -> memref<6400xf32, #tpu.memory_space<hbm>>
      tpu.enqueue_dma source(%dma_start3A_452 : memref<6400xf32, #tpu.memory_space<hbm>>) target(%arg8 : memref<6400xf32, #tpu.memory_space<vmem>>) target_semaphore(%run_scoped3A : memref<!tpu.dma_semaphore, #tpu.memory_space<semaphore_mem>>)
      %dma_wait3A_453 = tpu.memref_slice %arg3[%multiple_of3A] : memref<1638400xf32, #tpu.memory_space<hbm>> -> memref<6400xf32, #tpu.memory_space<hbm>>
      %dma_wait3A_454 = tpu.memref_slice %arg3[%multiple_of3A] : memref<1638400xf32, #tpu.memory_space<hbm>> -> memref<6400xf32, #tpu.memory_space<hbm>>
      tpu.wait_dma2 semaphore(%run_scoped3A : memref<!tpu.dma_semaphore, #tpu.memory_space<semaphore_mem>>) src(%dma_wait3A_454 : memref<6400xf32, #tpu.memory_space<hbm>>) dst(%arg8 : memref<6400xf32, #tpu.memory_space<vmem>>)
      tpu.yield
    }) : () -> ()
    %mul3A_13 = arith.constant 51200 : i32
    %mul3A_14 = arith.muli %add3A, %mul3A_13 : i32
    %add3A_15 = arith.constant 6400 : i32
    %add3A_16 = arith.addi %mul3A_14, %add3A_15 : i32
    %multiple_of3A_17 = tpu.assume_multiple %add3A_16, 128 : i32
    "tpu.region"() ({
      %run_scoped3A = tpu.sem_alloc : memref<!tpu.dma_semaphore, #tpu.memory_space<semaphore_mem>>
      %dma_start3A_451 = tpu.memref_slice %arg2[%multiple_of3A_17] : memref<1638400xi32, #tpu.memory_space<hbm>> -> memref<6400xi32, #tpu.memory_space<hbm>>
      %dma_start3A_452 = tpu.memref_slice %arg2[%multiple_of3A_17] : memref<1638400xi32, #tpu.memory_space<hbm>> -> memref<6400xi32, #tpu.memory_space<hbm>>
      tpu.enqueue_dma source(%dma_start3A_452 : memref<6400xi32, #tpu.memory_space<hbm>>) target(%arg7 : memref<6400xi32, #tpu.memory_space<vmem>>) target_semaphore(%run_scoped3A : memref<!tpu.dma_semaphore, #tpu.memory_space<semaphore_mem>>)
      %dma_wait3A_453 = tpu.memref_slice %arg2[%multiple_of3A_17] : memref<1638400xi32, #tpu.memory_space<hbm>> -> memref<6400xi32, #tpu.memory_space<hbm>>
      %dma_wait3A_454 = tpu.memref_slice %arg2[%multiple_of3A_17] : memref<1638400xi32, #tpu.memory_space<hbm>> -> memref<6400xi32, #tpu.memory_space<hbm>>
      tpu.wait_dma2 semaphore(%run_scoped3A : memref<!tpu.dma_semaphore, #tpu.memory_space<semaphore_mem>>) src(%dma_wait3A_454 : memref<6400xi32, #tpu.memory_space<hbm>>) dst(%arg7 : memref<6400xi32, #tpu.memory_space<vmem>>)
      tpu.yield
    }) : () -> ()
    %dma_start3A_18 = arith.constant 0 : i32
    %dma_start3A_19 = tpu.memref_slice %arg14[%dma_start3A_18] : memref<1000000xf32, #tpu.memory_space<vmem_shared>> -> memref<1000000xf32, #tpu.memory_space<vmem_shared>>
    tpu.enqueue_indirect_dma source(%dma_start3A_19 : memref<1000000xf32, #tpu.memory_space<vmem_shared>>) target(%arg11 : memref<6400xf32, #tpu.memory_space<vmem>>) offsets(%arg7 : memref<6400xi32, #tpu.memory_space<vmem>>) semaphore(%arg16 : memref<!tpu.dma_semaphore, #tpu.memory_space<semaphore_mem>>)
    "tpu.region"() ({
      %run_scoped3A = tpu.sem_alloc : memref<!tpu.dma_semaphore, #tpu.memory_space<semaphore_mem>>
      %dma_start3A_451 = tpu.memref_slice %arg3[%multiple_of3A_17] : memref<1638400xf32, #tpu.memory_space<hbm>> -> memref<6400xf32, #tpu.memory_space<hbm>>
      %dma_start3A_452 = tpu.memref_slice %arg3[%multiple_of3A_17] : memref<1638400xf32, #tpu.memory_space<hbm>> -> memref<6400xf32, #tpu.memory_space<hbm>>
      tpu.enqueue_dma source(%dma_start3A_452 : memref<6400xf32, #tpu.memory_space<hbm>>) target(%arg9 : memref<6400xf32, #tpu.memory_space<vmem>>) target_semaphore(%run_scoped3A : memref<!tpu.dma_semaphore, #tpu.memory_space<semaphore_mem>>)
      %dma_wait3A_453 = tpu.memref_slice %arg3[%multiple_of3A_17] : memref<1638400xf32, #tpu.memory_space<hbm>> -> memref<6400xf32, #tpu.memory_space<hbm>>
      %dma_wait3A_454 = tpu.memref_slice %arg3[%multiple_of3A_17] : memref<1638400xf32, #tpu.memory_space<hbm>> -> memref<6400xf32, #tpu.memory_space<hbm>>
      tpu.wait_dma2 semaphore(%run_scoped3A : memref<!tpu.dma_semaphore, #tpu.memory_space<semaphore_mem>>) src(%dma_wait3A_454 : memref<6400xf32, #tpu.memory_space<hbm>>) dst(%arg9 : memref<6400xf32, #tpu.memory_space<vmem>>)
      tpu.yield
    }) : () -> ()
    %dma_wait3A = arith.constant 0 : i32
    %dma_wait3A_20 = tpu.memref_slice %arg5[%dma_wait3A] : memref<16384xf32, #tpu.memory_space<hbm>> -> memref<6400xf32, #tpu.memory_space<hbm>>
    %dma_wait3A_21 = arith.constant 0 : i32
    %dma_wait3A_22 = tpu.memref_slice %arg5[%dma_wait3A_21] : memref<16384xf32, #tpu.memory_space<hbm>> -> memref<6400xf32, #tpu.memory_space<hbm>>
    tpu.wait_dma2 semaphore(%arg15 : memref<!tpu.dma_semaphore, #tpu.memory_space<semaphore_mem>>) src(%dma_wait3A_22 : memref<6400xf32, #tpu.memory_space<hbm>>) dst(%arg10 : memref<6400xf32, #tpu.memory_space<vmem>>)
    %mul3A_23 = arith.constant 100 : i32
    %mul3A_24 = vector.broadcast %mul3A_23 : i32 to vector<16xi32>
    %mul3A_25 = arith.muli %iota3A, %mul3A_24 : vector<16xi32>
    %add3A_26 = arith.constant 0 : i32
    %add3A_27 = vector.broadcast %add3A_26 : i32 to vector<16xi32>
    %add3A_28 = arith.addi %mul3A_25, %add3A_27 : vector<16xi32>
    %mul3A_29 = arith.constant 100 : i32
    %mul3A_30 = vector.broadcast %mul3A_29 : i32 to vector<16xi32>
    %mul3A_31 = arith.muli %iota3A, %mul3A_30 : vector<16xi32>
    %add3A_32 = arith.constant 1600 : i32
    %add3A_33 = vector.broadcast %add3A_32 : i32 to vector<16xi32>
    %add3A_34 = arith.addi %mul3A_31, %add3A_33 : vector<16xi32>
    %mul3A_35 = arith.constant 100 : i32
    %mul3A_36 = vector.broadcast %mul3A_35 : i32 to vector<16xi32>
    %mul3A_37 = arith.muli %iota3A, %mul3A_36 : vector<16xi32>
    %add3A_38 = arith.constant 3200 : i32
    %add3A_39 = vector.broadcast %add3A_38 : i32 to vector<16xi32>
    %add3A_40 = arith.addi %mul3A_37, %add3A_39 : vector<16xi32>
    %mul3A_41 = arith.constant 100 : i32
    %mul3A_42 = vector.broadcast %mul3A_41 : i32 to vector<16xi32>
    %mul3A_43 = arith.muli %iota3A, %mul3A_42 : vector<16xi32>
    %add3A_44 = arith.constant 4800 : i32
    %add3A_45 = vector.broadcast %add3A_44 : i32 to vector<16xi32>
    %add3A_46 = arith.addi %mul3A_43, %add3A_45 : vector<16xi32>
    %broadcast_in_dim3A = arith.constant 0.000000e+00 : f32
    %broadcast_in_dim3A_47 = vector.broadcast %broadcast_in_dim3A : f32 to vector<16xf32>
    %scan3A_48 = arith.constant 0 : i32
    %scan3A_49 = arith.constant 100 : i32
    %scan3A_50 = arith.addi %scan3A_48, %scan3A_49 : i32
    %scan3A_51 = arith.constant 1 : i32
    %scan3A_52:4 = scf.for %scan3A_451 = %scan3A_48 to %scan3A_50 step %scan3A_51 iter_args(%scan3A_452 = %broadcast_in_dim3A_47, %scan3A_453 = %broadcast_in_dim3A_47, %scan3A_454 = %broadcast_in_dim3A_47, %scan3A_455 = %broadcast_in_dim3A_47) -> (vector<16xf32>, vector<16xf32>, vector<16xf32>, vector<16xf32>)  : i32 {
      %add3A_456 = vector.broadcast %scan3A_451 : i32 to vector<16xi32>
      %add3A_457 = arith.addi %add3A_28, %add3A_456 : vector<16xi32>
      %gather3A = tpu.vector_load_idx %arg10[%add3A_457] : memref<6400xf32, #tpu.memory_space<vmem>>[vector<16xi32>], vector<16xf32>,
      %gather3A_458 = tpu.vector_load_idx %arg8[%add3A_457] : memref<6400xf32, #tpu.memory_space<vmem>>[vector<16xi32>], vector<16xf32>,
      %mul3A_459 = arith.mulf %gather3A, %gather3A_458 : vector<16xf32>
      %add3A_460 = arith.addf %scan3A_452, %mul3A_459 : vector<16xf32>
      %add3A_461 = vector.broadcast %scan3A_451 : i32 to vector<16xi32>
      %add3A_462 = arith.addi %add3A_34, %add3A_461 : vector<16xi32>
      %gather3A_463 = tpu.vector_load_idx %arg10[%add3A_462] : memref<6400xf32, #tpu.memory_space<vmem>>[vector<16xi32>], vector<16xf32>,
      %gather3A_464 = tpu.vector_load_idx %arg8[%add3A_462] : memref<6400xf32, #tpu.memory_space<vmem>>[vector<16xi32>], vector<16xf32>,
      %mul3A_465 = arith.mulf %gather3A_463, %gather3A_464 : vector<16xf32>
      %add3A_466 = arith.addf %scan3A_453, %mul3A_465 : vector<16xf32>
      %add3A_467 = vector.broadcast %scan3A_451 : i32 to vector<16xi32>
      %add3A_468 = arith.addi %add3A_40, %add3A_467 : vector<16xi32>
      %gather3A_469 = tpu.vector_load_idx %arg10[%add3A_468] : memref<6400xf32, #tpu.memory_space<vmem>>[vector<16xi32>], vector<16xf32>,
      %gather3A_470 = tpu.vector_load_idx %arg8[%add3A_468] : memref<6400xf32, #tpu.memory_space<vmem>>[vector<16xi32>], vector<16xf32>,
      %mul3A_471 = arith.mulf %gather3A_469, %gather3A_470 : vector<16xf32>
      %add3A_472 = arith.addf %scan3A_454, %mul3A_471 : vector<16xf32>
      %add3A_473 = vector.broadcast %scan3A_451 : i32 to vector<16xi32>
      %add3A_474 = arith.addi %add3A_46, %add3A_473 : vector<16xi32>
      %gather3A_475 = tpu.vector_load_idx %arg10[%add3A_474] : memref<6400xf32, #tpu.memory_space<vmem>>[vector<16xi32>], vector<16xf32>,
      %gather3A_476 = tpu.vector_load_idx %arg8[%add3A_474] : memref<6400xf32, #tpu.memory_space<vmem>>[vector<16xi32>], vector<16xf32>,
      %mul3A_477 = arith.mulf %gather3A_475, %gather3A_476 : vector<16xf32>
      %add3A_478 = arith.addf %scan3A_455, %mul3A_477 : vector<16xf32>
      scf.yield %add3A_460, %add3A_466, %add3A_472, %add3A_478 : vector<16xf32>, vector<16xf32>, vector<16xf32>, vector<16xf32>
    }
    %scan3A_53 = arith.constant 100 : i32
    %swap3A = arith.constant 0 : index
    %swap3A_54 = tpu.vector_load %arg12[%swap3A] {strides = array<i32>} : memref<64xf32, #tpu.memory_space<vmem>>, vector<16xf32>,
    tpu.vector_store %arg12[%swap3A], %scan3A_52#0 {strides = array<i32>} : memref<64xf32, #tpu.memory_space<vmem>>, vector<16xf32>,
    %swap3A_55 = arith.constant 16 : index
    %swap3A_56 = tpu.vector_load %arg12[%swap3A_55] {strides = array<i32>} : memref<64xf32, #tpu.memory_space<vmem>>, vector<16xf32>,
    tpu.vector_store %arg12[%swap3A_55], %scan3A_52#1 {strides = array<i32>} : memref<64xf32, #tpu.memory_space<vmem>>, vector<16xf32>,
    %swap3A_57 = arith.constant 32 : index
    %swap3A_58 = tpu.vector_load %arg12[%swap3A_57] {strides = array<i32>} : memref<64xf32, #tpu.memory_space<vmem>>, vector<16xf32>,
    tpu.vector_store %arg12[%swap3A_57], %scan3A_52#2 {strides = array<i32>} : memref<64xf32, #tpu.memory_space<vmem>>, vector<16xf32>,
    %swap3A_59 = arith.constant 48 : index
    %swap3A_60 = tpu.vector_load %arg12[%swap3A_59] {strides = array<i32>} : memref<64xf32, #tpu.memory_space<vmem>>, vector<16xf32>,
    tpu.vector_store %arg12[%swap3A_59], %scan3A_52#3 {strides = array<i32>} : memref<64xf32, #tpu.memory_space<vmem>>, vector<16xf32>,
    %mul3A_61 = arith.constant 512 : i32
    %mul3A_62 = arith.muli %add3A, %mul3A_61 : i32
    %add3A_63 = arith.constant 0 : i32
    %add3A_64 = arith.addi %mul3A_62, %add3A_63 : i32
    %multiple_of3A_65 = tpu.assume_multiple %add3A_64, 64 : i32
    "tpu.region"() ({
      %run_scoped3A = tpu.sem_alloc : memref<!tpu.dma_semaphore, #tpu.memory_space<semaphore_mem>>
      %dma_start3A_451 = tpu.memref_slice %arg5[%multiple_of3A_65] : memref<16384xf32, #tpu.memory_space<hbm>> -> memref<64xf32, #tpu.memory_space<hbm>>
      %dma_start3A_452 = tpu.memref_slice %arg5[%multiple_of3A_65] : memref<16384xf32, #tpu.memory_space<hbm>> -> memref<64xf32, #tpu.memory_space<hbm>>
      tpu.enqueue_dma source(%arg12 : memref<64xf32, #tpu.memory_space<vmem>>) target(%dma_start3A_452 : memref<64xf32, #tpu.memory_space<hbm>>) target_semaphore(%run_scoped3A : memref<!tpu.dma_semaphore, #tpu.memory_space<semaphore_mem>>)
      %dma_wait3A_453 = tpu.memref_slice %arg5[%multiple_of3A_65] : memref<16384xf32, #tpu.memory_space<hbm>> -> memref<64xf32, #tpu.memory_space<hbm>>
      %dma_wait3A_454 = tpu.memref_slice %arg5[%multiple_of3A_65] : memref<16384xf32, #tpu.memory_space<hbm>> -> memref<64xf32, #tpu.memory_space<hbm>>
      tpu.wait_dma2 semaphore(%run_scoped3A : memref<!tpu.dma_semaphore, #tpu.memory_space<semaphore_mem>>) src(%arg12 : memref<64xf32, #tpu.memory_space<vmem>>) dst(%dma_wait3A_454 : memref<64xf32, #tpu.memory_space<hbm>>)
      tpu.yield
    }) : () -> ()
    %mul3A_66 = arith.constant 51200 : i32
    %mul3A_67 = arith.muli %add3A, %mul3A_66 : i32
    %add3A_68 = arith.constant 12800 : i32
    %add3A_69 = arith.addi %mul3A_67, %add3A_68 : i32
    %multiple_of3A_70 = tpu.assume_multiple %add3A_69, 128 : i32
    "tpu.region"() ({
      %run_scoped3A = tpu.sem_alloc : memref<!tpu.dma_semaphore, #tpu.memory_space<semaphore_mem>>
      %dma_start3A_451 = tpu.memref_slice %arg2[%multiple_of3A_70] : memref<1638400xi32, #tpu.memory_space<hbm>> -> memref<6400xi32, #tpu.memory_space<hbm>>
      %dma_start3A_452 = tpu.memref_slice %arg2[%multiple_of3A_70] : memref<1638400xi32, #tpu.memory_space<hbm>> -> memref<6400xi32, #tpu.memory_space<hbm>>
      tpu.enqueue_dma source(%dma_start3A_452 : memref<6400xi32, #tpu.memory_space<hbm>>) target(%arg6 : memref<6400xi32, #tpu.memory_space<vmem>>) target_semaphore(%run_scoped3A : memref<!tpu.dma_semaphore, #tpu.memory_space<semaphore_mem>>)
      %dma_wait3A_453 = tpu.memref_slice %arg2[%multiple_of3A_70] : memref<1638400xi32, #tpu.memory_space<hbm>> -> memref<6400xi32, #tpu.memory_space<hbm>>
      %dma_wait3A_454 = tpu.memref_slice %arg2[%multiple_of3A_70] : memref<1638400xi32, #tpu.memory_space<hbm>> -> memref<6400xi32, #tpu.memory_space<hbm>>
      tpu.wait_dma2 semaphore(%run_scoped3A : memref<!tpu.dma_semaphore, #tpu.memory_space<semaphore_mem>>) src(%dma_wait3A_454 : memref<6400xi32, #tpu.memory_space<hbm>>) dst(%arg6 : memref<6400xi32, #tpu.memory_space<vmem>>)
      tpu.yield
    }) : () -> ()
    %dma_start3A_71 = arith.constant 0 : i32
    %dma_start3A_72 = tpu.memref_slice %arg14[%dma_start3A_71] : memref<1000000xf32, #tpu.memory_space<vmem_shared>> -> memref<1000000xf32, #tpu.memory_space<vmem_shared>>
    tpu.enqueue_indirect_dma source(%dma_start3A_72 : memref<1000000xf32, #tpu.memory_space<vmem_shared>>) target(%arg10 : memref<6400xf32, #tpu.memory_space<vmem>>) offsets(%arg6 : memref<6400xi32, #tpu.memory_space<vmem>>) semaphore(%arg15 : memref<!tpu.dma_semaphore, #tpu.memory_space<semaphore_mem>>)
    "tpu.region"() ({
      %run_scoped3A = tpu.sem_alloc : memref<!tpu.dma_semaphore, #tpu.memory_space<semaphore_mem>>
      %dma_start3A_451 = tpu.memref_slice %arg3[%multiple_of3A_70] : memref<1638400xf32, #tpu.memory_space<hbm>> -> memref<6400xf32, #tpu.memory_space<hbm>>
      %dma_start3A_452 = tpu.memref_slice %arg3[%multiple_of3A_70] : memref<1638400xf32, #tpu.memory_space<hbm>> -> memref<6400xf32, #tpu.memory_space<hbm>>
      tpu.enqueue_dma source(%dma_start3A_452 : memref<6400xf32, #tpu.memory_space<hbm>>) target(%arg8 : memref<6400xf32, #tpu.memory_space<vmem>>) target_semaphore(%run_scoped3A : memref<!tpu.dma_semaphore, #tpu.memory_space<semaphore_mem>>)
      %dma_wait3A_453 = tpu.memref_slice %arg3[%multiple_of3A_70] : memref<1638400xf32, #tpu.memory_space<hbm>> -> memref<6400xf32, #tpu.memory_space<hbm>>
      %dma_wait3A_454 = tpu.memref_slice %arg3[%multiple_of3A_70] : memref<1638400xf32, #tpu.memory_space<hbm>> -> memref<6400xf32, #tpu.memory_space<hbm>>
      tpu.wait_dma2 semaphore(%run_scoped3A : memref<!tpu.dma_semaphore, #tpu.memory_space<semaphore_mem>>) src(%dma_wait3A_454 : memref<6400xf32, #tpu.memory_space<hbm>>) dst(%arg8 : memref<6400xf32, #tpu.memory_space<vmem>>)
      tpu.yield
    }) : () -> ()
    %dma_wait3A_73 = arith.constant 0 : i32
    %dma_wait3A_74 = tpu.memref_slice %arg5[%dma_wait3A_73] : memref<16384xf32, #tpu.memory_space<hbm>> -> memref<6400xf32, #tpu.memory_space<hbm>>
    %dma_wait3A_75 = arith.constant 0 : i32
    %dma_wait3A_76 = tpu.memref_slice %arg5[%dma_wait3A_75] : memref<16384xf32, #tpu.memory_space<hbm>> -> memref<6400xf32, #tpu.memory_space<hbm>>
    tpu.wait_dma2 semaphore(%arg16 : memref<!tpu.dma_semaphore, #tpu.memory_space<semaphore_mem>>) src(%dma_wait3A_76 : memref<6400xf32, #tpu.memory_space<hbm>>) dst(%arg11 : memref<6400xf32, #tpu.memory_space<vmem>>)
    %mul3A_77 = arith.constant 100 : i32
    %mul3A_78 = vector.broadcast %mul3A_77 : i32 to vector<16xi32>
    %mul3A_79 = arith.muli %iota3A, %mul3A_78 : vector<16xi32>
    %add3A_80 = arith.constant 0 : i32
    %add3A_81 = vector.broadcast %add3A_80 : i32 to vector<16xi32>
    %add3A_82 = arith.addi %mul3A_79, %add3A_81 : vector<16xi32>
    %mul3A_83 = arith.constant 100 : i32
    %mul3A_84 = vector.broadcast %mul3A_83 : i32 to vector<16xi32>
    %mul3A_85 = arith.muli %iota3A, %mul3A_84 : vector<16xi32>
    %add3A_86 = arith.constant 1600 : i32
    %add3A_87 = vector.broadcast %add3A_86 : i32 to vector<16xi32>
    %add3A_88 = arith.addi %mul3A_85, %add3A_87 : vector<16xi32>
    %mul3A_89 = arith.constant 100 : i32
    %mul3A_90 = vector.broadcast %mul3A_89 : i32 to vector<16xi32>
    %mul3A_91 = arith.muli %iota3A, %mul3A_90 : vector<16xi32>
    %add3A_92 = arith.constant 3200 : i32
    %add3A_93 = vector.broadcast %add3A_92 : i32 to vector<16xi32>
    %add3A_94 = arith.addi %mul3A_91, %add3A_93 : vector<16xi32>
    %mul3A_95 = arith.constant 100 : i32
    %mul3A_96 = vector.broadcast %mul3A_95 : i32 to vector<16xi32>
    %mul3A_97 = arith.muli %iota3A, %mul3A_96 : vector<16xi32>
    %add3A_98 = arith.constant 4800 : i32
    %add3A_99 = vector.broadcast %add3A_98 : i32 to vector<16xi32>
    %add3A_100 = arith.addi %mul3A_97, %add3A_99 : vector<16xi32>
    %broadcast_in_dim3A_101 = arith.constant 0.000000e+00 : f32
    %broadcast_in_dim3A_102 = vector.broadcast %broadcast_in_dim3A_101 : f32 to vector<16xf32>
    %scan3A_103 = arith.constant 0 : i32
    %scan3A_104 = arith.constant 100 : i32
    %scan3A_105 = arith.addi %scan3A_103, %scan3A_104 : i32
    %scan3A_106 = arith.constant 1 : i32
    %scan3A_107:4 = scf.for %scan3A_451 = %scan3A_103 to %scan3A_105 step %scan3A_106 iter_args(%scan3A_452 = %broadcast_in_dim3A_102, %scan3A_453 = %broadcast_in_dim3A_102, %scan3A_454 = %broadcast_in_dim3A_102, %scan3A_455 = %broadcast_in_dim3A_102) -> (vector<16xf32>, vector<16xf32>, vector<16xf32>, vector<16xf32>)  : i32 {
      %add3A_456 = vector.broadcast %scan3A_451 : i32 to vector<16xi32>
      %add3A_457 = arith.addi %add3A_82, %add3A_456 : vector<16xi32>
      %gather3A = tpu.vector_load_idx %arg11[%add3A_457] : memref<6400xf32, #tpu.memory_space<vmem>>[vector<16xi32>], vector<16xf32>,
      %gather3A_458 = tpu.vector_load_idx %arg9[%add3A_457] : memref<6400xf32, #tpu.memory_space<vmem>>[vector<16xi32>], vector<16xf32>,
      %mul3A_459 = arith.mulf %gather3A, %gather3A_458 : vector<16xf32>
      %add3A_460 = arith.addf %scan3A_452, %mul3A_459 : vector<16xf32>
      %add3A_461 = vector.broadcast %scan3A_451 : i32 to vector<16xi32>
      %add3A_462 = arith.addi %add3A_88, %add3A_461 : vector<16xi32>
      %gather3A_463 = tpu.vector_load_idx %arg11[%add3A_462] : memref<6400xf32, #tpu.memory_space<vmem>>[vector<16xi32>], vector<16xf32>,
      %gather3A_464 = tpu.vector_load_idx %arg9[%add3A_462] : memref<6400xf32, #tpu.memory_space<vmem>>[vector<16xi32>], vector<16xf32>,
      %mul3A_465 = arith.mulf %gather3A_463, %gather3A_464 : vector<16xf32>
      %add3A_466 = arith.addf %scan3A_453, %mul3A_465 : vector<16xf32>
      %add3A_467 = vector.broadcast %scan3A_451 : i32 to vector<16xi32>
      %add3A_468 = arith.addi %add3A_94, %add3A_467 : vector<16xi32>
      %gather3A_469 = tpu.vector_load_idx %arg11[%add3A_468] : memref<6400xf32, #tpu.memory_space<vmem>>[vector<16xi32>], vector<16xf32>,
      %gather3A_470 = tpu.vector_load_idx %arg9[%add3A_468] : memref<6400xf32, #tpu.memory_space<vmem>>[vector<16xi32>], vector<16xf32>,
      %mul3A_471 = arith.mulf %gather3A_469, %gather3A_470 : vector<16xf32>
      %add3A_472 = arith.addf %scan3A_454, %mul3A_471 : vector<16xf32>
      %add3A_473 = vector.broadcast %scan3A_451 : i32 to vector<16xi32>
      %add3A_474 = arith.addi %add3A_100, %add3A_473 : vector<16xi32>
      %gather3A_475 = tpu.vector_load_idx %arg11[%add3A_474] : memref<6400xf32, #tpu.memory_space<vmem>>[vector<16xi32>], vector<16xf32>,
      %gather3A_476 = tpu.vector_load_idx %arg9[%add3A_474] : memref<6400xf32, #tpu.memory_space<vmem>>[vector<16xi32>], vector<16xf32>,
      %mul3A_477 = arith.mulf %gather3A_475, %gather3A_476 : vector<16xf32>
      %add3A_478 = arith.addf %scan3A_455, %mul3A_477 : vector<16xf32>
      scf.yield %add3A_460, %add3A_466, %add3A_472, %add3A_478 : vector<16xf32>, vector<16xf32>, vector<16xf32>, vector<16xf32>
    }
    %scan3A_108 = arith.constant 100 : i32
    %swap3A_109 = arith.constant 0 : index
    %swap3A_110 = tpu.vector_load %arg12[%swap3A_109] {strides = array<i32>} : memref<64xf32, #tpu.memory_space<vmem>>, vector<16xf32>,
    tpu.vector_store %arg12[%swap3A_109], %scan3A_107#0 {strides = array<i32>} : memref<64xf32, #tpu.memory_space<vmem>>, vector<16xf32>,
    %swap3A_111 = arith.constant 16 : index
    %swap3A_112 = tpu.vector_load %arg12[%swap3A_111] {strides = array<i32>} : memref<64xf32, #tpu.memory_space<vmem>>, vector<16xf32>,
    tpu.vector_store %arg12[%swap3A_111], %scan3A_107#1 {strides = array<i32>} : memref<64xf32, #tpu.memory_space<vmem>>, vector<16xf32>,
    %swap3A_113 = arith.constant 32 : index
    %swap3A_114 = tpu.vector_load %arg12[%swap3A_113] {strides = array<i32>} : memref<64xf32, #tpu.memory_space<vmem>>, vector<16xf32>,
    tpu.vector_store %arg12[%swap3A_113], %scan3A_107#2 {strides = array<i32>} : memref<64xf32, #tpu.memory_space<vmem>>, vector<16xf32>,
    %swap3A_115 = arith.constant 48 : index
    %swap3A_116 = tpu.vector_load %arg12[%swap3A_115] {strides = array<i32>} : memref<64xf32, #tpu.memory_space<vmem>>, vector<16xf32>,
    tpu.vector_store %arg12[%swap3A_115], %scan3A_107#3 {strides = array<i32>} : memref<64xf32, #tpu.memory_space<vmem>>, vector<16xf32>,
    %mul3A_117 = arith.constant 512 : i32
    %mul3A_118 = arith.muli %add3A, %mul3A_117 : i32
    %add3A_119 = arith.constant 64 : i32
    %add3A_120 = arith.addi %mul3A_118, %add3A_119 : i32
    %multiple_of3A_121 = tpu.assume_multiple %add3A_120, 64 : i32
    "tpu.region"() ({
      %run_scoped3A = tpu.sem_alloc : memref<!tpu.dma_semaphore, #tpu.memory_space<semaphore_mem>>
      %dma_start3A_451 = tpu.memref_slice %arg5[%multiple_of3A_121] : memref<16384xf32, #tpu.memory_space<hbm>> -> memref<64xf32, #tpu.memory_space<hbm>>
      %dma_start3A_452 = tpu.memref_slice %arg5[%multiple_of3A_121] : memref<16384xf32, #tpu.memory_space<hbm>> -> memref<64xf32, #tpu.memory_space<hbm>>
      tpu.enqueue_dma source(%arg12 : memref<64xf32, #tpu.memory_space<vmem>>) target(%dma_start3A_452 : memref<64xf32, #tpu.memory_space<hbm>>) target_semaphore(%run_scoped3A : memref<!tpu.dma_semaphore, #tpu.memory_space<semaphore_mem>>)
      %dma_wait3A_453 = tpu.memref_slice %arg5[%multiple_of3A_121] : memref<16384xf32, #tpu.memory_space<hbm>> -> memref<64xf32, #tpu.memory_space<hbm>>
      %dma_wait3A_454 = tpu.memref_slice %arg5[%multiple_of3A_121] : memref<16384xf32, #tpu.memory_space<hbm>> -> memref<64xf32, #tpu.memory_space<hbm>>
      tpu.wait_dma2 semaphore(%run_scoped3A : memref<!tpu.dma_semaphore, #tpu.memory_space<semaphore_mem>>) src(%arg12 : memref<64xf32, #tpu.memory_space<vmem>>) dst(%dma_wait3A_454 : memref<64xf32, #tpu.memory_space<hbm>>)
      tpu.yield
    }) : () -> ()
    %mul3A_122 = arith.constant 51200 : i32
    %mul3A_123 = arith.muli %add3A, %mul3A_122 : i32
    %add3A_124 = arith.constant 19200 : i32
    %add3A_125 = arith.addi %mul3A_123, %add3A_124 : i32
    %multiple_of3A_126 = tpu.assume_multiple %add3A_125, 128 : i32
    "tpu.region"() ({
      %run_scoped3A = tpu.sem_alloc : memref<!tpu.dma_semaphore, #tpu.memory_space<semaphore_mem>>
      %dma_start3A_451 = tpu.memref_slice %arg2[%multiple_of3A_126] : memref<1638400xi32, #tpu.memory_space<hbm>> -> memref<6400xi32, #tpu.memory_space<hbm>>
      %dma_start3A_452 = tpu.memref_slice %arg2[%multiple_of3A_126] : memref<1638400xi32, #tpu.memory_space<hbm>> -> memref<6400xi32, #tpu.memory_space<hbm>>
      tpu.enqueue_dma source(%dma_start3A_452 : memref<6400xi32, #tpu.memory_space<hbm>>) target(%arg7 : memref<6400xi32, #tpu.memory_space<vmem>>) target_semaphore(%run_scoped3A : memref<!tpu.dma_semaphore, #tpu.memory_space<semaphore_mem>>)
      %dma_wait3A_453 = tpu.memref_slice %arg2[%multiple_of3A_126] : memref<1638400xi32, #tpu.memory_space<hbm>> -> memref<6400xi32, #tpu.memory_space<hbm>>
      %dma_wait3A_454 = tpu.memref_slice %arg2[%multiple_of3A_126] : memref<1638400xi32, #tpu.memory_space<hbm>> -> memref<6400xi32, #tpu.memory_space<hbm>>
      tpu.wait_dma2 semaphore(%run_scoped3A : memref<!tpu.dma_semaphore, #tpu.memory_space<semaphore_mem>>) src(%dma_wait3A_454 : memref<6400xi32, #tpu.memory_space<hbm>>) dst(%arg7 : memref<6400xi32, #tpu.memory_space<vmem>>)
      tpu.yield
    }) : () -> ()
    %dma_start3A_127 = arith.constant 0 : i32
    %dma_start3A_128 = tpu.memref_slice %arg14[%dma_start3A_127] : memref<1000000xf32, #tpu.memory_space<vmem_shared>> -> memref<1000000xf32, #tpu.memory_space<vmem_shared>>
    tpu.enqueue_indirect_dma source(%dma_start3A_128 : memref<1000000xf32, #tpu.memory_space<vmem_shared>>) target(%arg11 : memref<6400xf32, #tpu.memory_space<vmem>>) offsets(%arg7 : memref<6400xi32, #tpu.memory_space<vmem>>) semaphore(%arg16 : memref<!tpu.dma_semaphore, #tpu.memory_space<semaphore_mem>>)
    "tpu.region"() ({
      %run_scoped3A = tpu.sem_alloc : memref<!tpu.dma_semaphore, #tpu.memory_space<semaphore_mem>>
      %dma_start3A_451 = tpu.memref_slice %arg3[%multiple_of3A_126] : memref<1638400xf32, #tpu.memory_space<hbm>> -> memref<6400xf32, #tpu.memory_space<hbm>>
      %dma_start3A_452 = tpu.memref_slice %arg3[%multiple_of3A_126] : memref<1638400xf32, #tpu.memory_space<hbm>> -> memref<6400xf32, #tpu.memory_space<hbm>>
      tpu.enqueue_dma source(%dma_start3A_452 : memref<6400xf32, #tpu.memory_space<hbm>>) target(%arg9 : memref<6400xf32, #tpu.memory_space<vmem>>) target_semaphore(%run_scoped3A : memref<!tpu.dma_semaphore, #tpu.memory_space<semaphore_mem>>)
      %dma_wait3A_453 = tpu.memref_slice %arg3[%multiple_of3A_126] : memref<1638400xf32, #tpu.memory_space<hbm>> -> memref<6400xf32, #tpu.memory_space<hbm>>
      %dma_wait3A_454 = tpu.memref_slice %arg3[%multiple_of3A_126] : memref<1638400xf32, #tpu.memory_space<hbm>> -> memref<6400xf32, #tpu.memory_space<hbm>>
      tpu.wait_dma2 semaphore(%run_scoped3A : memref<!tpu.dma_semaphore, #tpu.memory_space<semaphore_mem>>) src(%dma_wait3A_454 : memref<6400xf32, #tpu.memory_space<hbm>>) dst(%arg9 : memref<6400xf32, #tpu.memory_space<vmem>>)
      tpu.yield
    }) : () -> ()
    %dma_wait3A_129 = arith.constant 0 : i32
    %dma_wait3A_130 = tpu.memref_slice %arg5[%dma_wait3A_129] : memref<16384xf32, #tpu.memory_space<hbm>> -> memref<6400xf32, #tpu.memory_space<hbm>>
    %dma_wait3A_131 = arith.constant 0 : i32
    %dma_wait3A_132 = tpu.memref_slice %arg5[%dma_wait3A_131] : memref<16384xf32, #tpu.memory_space<hbm>> -> memref<6400xf32, #tpu.memory_space<hbm>>
    tpu.wait_dma2 semaphore(%arg15 : memref<!tpu.dma_semaphore, #tpu.memory_space<semaphore_mem>>) src(%dma_wait3A_132 : memref<6400xf32, #tpu.memory_space<hbm>>) dst(%arg10 : memref<6400xf32, #tpu.memory_space<vmem>>)
    %mul3A_133 = arith.constant 100 : i32
    %mul3A_134 = vector.broadcast %mul3A_133 : i32 to vector<16xi32>
    %mul3A_135 = arith.muli %iota3A, %mul3A_134 : vector<16xi32>
    %add3A_136 = arith.constant 0 : i32
    %add3A_137 = vector.broadcast %add3A_136 : i32 to vector<16xi32>
    %add3A_138 = arith.addi %mul3A_135, %add3A_137 : vector<16xi32>
    %mul3A_139 = arith.constant 100 : i32
    %mul3A_140 = vector.broadcast %mul3A_139 : i32 to vector<16xi32>
    %mul3A_141 = arith.muli %iota3A, %mul3A_140 : vector<16xi32>
    %add3A_142 = arith.constant 1600 : i32
    %add3A_143 = vector.broadcast %add3A_142 : i32 to vector<16xi32>
    %add3A_144 = arith.addi %mul3A_141, %add3A_143 : vector<16xi32>
    %mul3A_145 = arith.constant 100 : i32
    %mul3A_146 = vector.broadcast %mul3A_145 : i32 to vector<16xi32>
    %mul3A_147 = arith.muli %iota3A, %mul3A_146 : vector<16xi32>
    %add3A_148 = arith.constant 3200 : i32
    %add3A_149 = vector.broadcast %add3A_148 : i32 to vector<16xi32>
    %add3A_150 = arith.addi %mul3A_147, %add3A_149 : vector<16xi32>
    %mul3A_151 = arith.constant 100 : i32
    %mul3A_152 = vector.broadcast %mul3A_151 : i32 to vector<16xi32>
    %mul3A_153 = arith.muli %iota3A, %mul3A_152 : vector<16xi32>
    %add3A_154 = arith.constant 4800 : i32
    %add3A_155 = vector.broadcast %add3A_154 : i32 to vector<16xi32>
    %add3A_156 = arith.addi %mul3A_153, %add3A_155 : vector<16xi32>
    %broadcast_in_dim3A_157 = arith.constant 0.000000e+00 : f32
    %broadcast_in_dim3A_158 = vector.broadcast %broadcast_in_dim3A_157 : f32 to vector<16xf32>
    %scan3A_159 = arith.constant 0 : i32
    %scan3A_160 = arith.constant 100 : i32
    %scan3A_161 = arith.addi %scan3A_159, %scan3A_160 : i32
    %scan3A_162 = arith.constant 1 : i32
    %scan3A_163:4 = scf.for %scan3A_451 = %scan3A_159 to %scan3A_161 step %scan3A_162 iter_args(%scan3A_452 = %broadcast_in_dim3A_158, %scan3A_453 = %broadcast_in_dim3A_158, %scan3A_454 = %broadcast_in_dim3A_158, %scan3A_455 = %broadcast_in_dim3A_158) -> (vector<16xf32>, vector<16xf32>, vector<16xf32>, vector<16xf32>)  : i32 {
      %add3A_456 = vector.broadcast %scan3A_451 : i32 to vector<16xi32>
      %add3A_457 = arith.addi %add3A_138, %add3A_456 : vector<16xi32>
      %gather3A = tpu.vector_load_idx %arg10[%add3A_457] : memref<6400xf32, #tpu.memory_space<vmem>>[vector<16xi32>], vector<16xf32>,
      %gather3A_458 = tpu.vector_load_idx %arg8[%add3A_457] : memref<6400xf32, #tpu.memory_space<vmem>>[vector<16xi32>], vector<16xf32>,
      %mul3A_459 = arith.mulf %gather3A, %gather3A_458 : vector<16xf32>
      %add3A_460 = arith.addf %scan3A_452, %mul3A_459 : vector<16xf32>
      %add3A_461 = vector.broadcast %scan3A_451 : i32 to vector<16xi32>
      %add3A_462 = arith.addi %add3A_144, %add3A_461 : vector<16xi32>
      %gather3A_463 = tpu.vector_load_idx %arg10[%add3A_462] : memref<6400xf32, #tpu.memory_space<vmem>>[vector<16xi32>], vector<16xf32>,
      %gather3A_464 = tpu.vector_load_idx %arg8[%add3A_462] : memref<6400xf32, #tpu.memory_space<vmem>>[vector<16xi32>], vector<16xf32>,
      %mul3A_465 = arith.mulf %gather3A_463, %gather3A_464 : vector<16xf32>
      %add3A_466 = arith.addf %scan3A_453, %mul3A_465 : vector<16xf32>
      %add3A_467 = vector.broadcast %scan3A_451 : i32 to vector<16xi32>
      %add3A_468 = arith.addi %add3A_150, %add3A_467 : vector<16xi32>
      %gather3A_469 = tpu.vector_load_idx %arg10[%add3A_468] : memref<6400xf32, #tpu.memory_space<vmem>>[vector<16xi32>], vector<16xf32>,
      %gather3A_470 = tpu.vector_load_idx %arg8[%add3A_468] : memref<6400xf32, #tpu.memory_space<vmem>>[vector<16xi32>], vector<16xf32>,
      %mul3A_471 = arith.mulf %gather3A_469, %gather3A_470 : vector<16xf32>
      %add3A_472 = arith.addf %scan3A_454, %mul3A_471 : vector<16xf32>
      %add3A_473 = vector.broadcast %scan3A_451 : i32 to vector<16xi32>
      %add3A_474 = arith.addi %add3A_156, %add3A_473 : vector<16xi32>
      %gather3A_475 = tpu.vector_load_idx %arg10[%add3A_474] : memref<6400xf32, #tpu.memory_space<vmem>>[vector<16xi32>], vector<16xf32>,
      %gather3A_476 = tpu.vector_load_idx %arg8[%add3A_474] : memref<6400xf32, #tpu.memory_space<vmem>>[vector<16xi32>], vector<16xf32>,
      %mul3A_477 = arith.mulf %gather3A_475, %gather3A_476 : vector<16xf32>
      %add3A_478 = arith.addf %scan3A_455, %mul3A_477 : vector<16xf32>
      scf.yield %add3A_460, %add3A_466, %add3A_472, %add3A_478 : vector<16xf32>, vector<16xf32>, vector<16xf32>, vector<16xf32>
    }
    %scan3A_164 = arith.constant 100 : i32
    %swap3A_165 = arith.constant 0 : index
    %swap3A_166 = tpu.vector_load %arg12[%swap3A_165] {strides = array<i32>} : memref<64xf32, #tpu.memory_space<vmem>>, vector<16xf32>,
    tpu.vector_store %arg12[%swap3A_165], %scan3A_163#0 {strides = array<i32>} : memref<64xf32, #tpu.memory_space<vmem>>, vector<16xf32>,
    %swap3A_167 = arith.constant 16 : index
    %swap3A_168 = tpu.vector_load %arg12[%swap3A_167] {strides = array<i32>} : memref<64xf32, #tpu.memory_space<vmem>>, vector<16xf32>,
    tpu.vector_store %arg12[%swap3A_167], %scan3A_163#1 {strides = array<i32>} : memref<64xf32, #tpu.memory_space<vmem>>, vector<16xf32>,
    %swap3A_169 = arith.constant 32 : index
    %swap3A_170 = tpu.vector_load %arg12[%swap3A_169] {strides = array<i32>} : memref<64xf32, #tpu.memory_space<vmem>>, vector<16xf32>,
    tpu.vector_store %arg12[%swap3A_169], %scan3A_163#2 {strides = array<i32>} : memref<64xf32, #tpu.memory_space<vmem>>, vector<16xf32>,
    %swap3A_171 = arith.constant 48 : index
    %swap3A_172 = tpu.vector_load %arg12[%swap3A_171] {strides = array<i32>} : memref<64xf32, #tpu.memory_space<vmem>>, vector<16xf32>,
    tpu.vector_store %arg12[%swap3A_171], %scan3A_163#3 {strides = array<i32>} : memref<64xf32, #tpu.memory_space<vmem>>, vector<16xf32>,
    %mul3A_173 = arith.constant 512 : i32
    %mul3A_174 = arith.muli %add3A, %mul3A_173 : i32
    %add3A_175 = arith.constant 128 : i32
    %add3A_176 = arith.addi %mul3A_174, %add3A_175 : i32
    %multiple_of3A_177 = tpu.assume_multiple %add3A_176, 64 : i32
    "tpu.region"() ({
      %run_scoped3A = tpu.sem_alloc : memref<!tpu.dma_semaphore, #tpu.memory_space<semaphore_mem>>
      %dma_start3A_451 = tpu.memref_slice %arg5[%multiple_of3A_177] : memref<16384xf32, #tpu.memory_space<hbm>> -> memref<64xf32, #tpu.memory_space<hbm>>
      %dma_start3A_452 = tpu.memref_slice %arg5[%multiple_of3A_177] : memref<16384xf32, #tpu.memory_space<hbm>> -> memref<64xf32, #tpu.memory_space<hbm>>
      tpu.enqueue_dma source(%arg12 : memref<64xf32, #tpu.memory_space<vmem>>) target(%dma_start3A_452 : memref<64xf32, #tpu.memory_space<hbm>>) target_semaphore(%run_scoped3A : memref<!tpu.dma_semaphore, #tpu.memory_space<semaphore_mem>>)
      %dma_wait3A_453 = tpu.memref_slice %arg5[%multiple_of3A_177] : memref<16384xf32, #tpu.memory_space<hbm>> -> memref<64xf32, #tpu.memory_space<hbm>>
      %dma_wait3A_454 = tpu.memref_slice %arg5[%multiple_of3A_177] : memref<16384xf32, #tpu.memory_space<hbm>> -> memref<64xf32, #tpu.memory_space<hbm>>
      tpu.wait_dma2 semaphore(%run_scoped3A : memref<!tpu.dma_semaphore, #tpu.memory_space<semaphore_mem>>) src(%arg12 : memref<64xf32, #tpu.memory_space<vmem>>) dst(%dma_wait3A_454 : memref<64xf32, #tpu.memory_space<hbm>>)
      tpu.yield
    }) : () -> ()
    %mul3A_178 = arith.constant 51200 : i32
    %mul3A_179 = arith.muli %add3A, %mul3A_178 : i32
    %add3A_180 = arith.constant 25600 : i32
    %add3A_181 = arith.addi %mul3A_179, %add3A_180 : i32
    %multiple_of3A_182 = tpu.assume_multiple %add3A_181, 128 : i32
    "tpu.region"() ({
      %run_scoped3A = tpu.sem_alloc : memref<!tpu.dma_semaphore, #tpu.memory_space<semaphore_mem>>
      %dma_start3A_451 = tpu.memref_slice %arg2[%multiple_of3A_182] : memref<1638400xi32, #tpu.memory_space<hbm>> -> memref<6400xi32, #tpu.memory_space<hbm>>
      %dma_start3A_452 = tpu.memref_slice %arg2[%multiple_of3A_182] : memref<1638400xi32, #tpu.memory_space<hbm>> -> memref<6400xi32, #tpu.memory_space<hbm>>
      tpu.enqueue_dma source(%dma_start3A_452 : memref<6400xi32, #tpu.memory_space<hbm>>) target(%arg6 : memref<6400xi32, #tpu.memory_space<vmem>>) target_semaphore(%run_scoped3A : memref<!tpu.dma_semaphore, #tpu.memory_space<semaphore_mem>>)
      %dma_wait3A_453 = tpu.memref_slice %arg2[%multiple_of3A_182] : memref<1638400xi32, #tpu.memory_space<hbm>> -> memref<6400xi32, #tpu.memory_space<hbm>>
      %dma_wait3A_454 = tpu.memref_slice %arg2[%multiple_of3A_182] : memref<1638400xi32, #tpu.memory_space<hbm>> -> memref<6400xi32, #tpu.memory_space<hbm>>
      tpu.wait_dma2 semaphore(%run_scoped3A : memref<!tpu.dma_semaphore, #tpu.memory_space<semaphore_mem>>) src(%dma_wait3A_454 : memref<6400xi32, #tpu.memory_space<hbm>>) dst(%arg6 : memref<6400xi32, #tpu.memory_space<vmem>>)
      tpu.yield
    }) : () -> ()
    %dma_start3A_183 = arith.constant 0 : i32
    %dma_start3A_184 = tpu.memref_slice %arg14[%dma_start3A_183] : memref<1000000xf32, #tpu.memory_space<vmem_shared>> -> memref<1000000xf32, #tpu.memory_space<vmem_shared>>
    tpu.enqueue_indirect_dma source(%dma_start3A_184 : memref<1000000xf32, #tpu.memory_space<vmem_shared>>) target(%arg10 : memref<6400xf32, #tpu.memory_space<vmem>>) offsets(%arg6 : memref<6400xi32, #tpu.memory_space<vmem>>) semaphore(%arg15 : memref<!tpu.dma_semaphore, #tpu.memory_space<semaphore_mem>>)
    "tpu.region"() ({
      %run_scoped3A = tpu.sem_alloc : memref<!tpu.dma_semaphore, #tpu.memory_space<semaphore_mem>>
      %dma_start3A_451 = tpu.memref_slice %arg3[%multiple_of3A_182] : memref<1638400xf32, #tpu.memory_space<hbm>> -> memref<6400xf32, #tpu.memory_space<hbm>>
      %dma_start3A_452 = tpu.memref_slice %arg3[%multiple_of3A_182] : memref<1638400xf32, #tpu.memory_space<hbm>> -> memref<6400xf32, #tpu.memory_space<hbm>>
      tpu.enqueue_dma source(%dma_start3A_452 : memref<6400xf32, #tpu.memory_space<hbm>>) target(%arg8 : memref<6400xf32, #tpu.memory_space<vmem>>) target_semaphore(%run_scoped3A : memref<!tpu.dma_semaphore, #tpu.memory_space<semaphore_mem>>)
      %dma_wait3A_453 = tpu.memref_slice %arg3[%multiple_of3A_182] : memref<1638400xf32, #tpu.memory_space<hbm>> -> memref<6400xf32, #tpu.memory_space<hbm>>
      %dma_wait3A_454 = tpu.memref_slice %arg3[%multiple_of3A_182] : memref<1638400xf32, #tpu.memory_space<hbm>> -> memref<6400xf32, #tpu.memory_space<hbm>>
      tpu.wait_dma2 semaphore(%run_scoped3A : memref<!tpu.dma_semaphore, #tpu.memory_space<semaphore_mem>>) src(%dma_wait3A_454 : memref<6400xf32, #tpu.memory_space<hbm>>) dst(%arg8 : memref<6400xf32, #tpu.memory_space<vmem>>)
      tpu.yield
    }) : () -> ()
    %dma_wait3A_185 = arith.constant 0 : i32
    %dma_wait3A_186 = tpu.memref_slice %arg5[%dma_wait3A_185] : memref<16384xf32, #tpu.memory_space<hbm>> -> memref<6400xf32, #tpu.memory_space<hbm>>
    %dma_wait3A_187 = arith.constant 0 : i32
    %dma_wait3A_188 = tpu.memref_slice %arg5[%dma_wait3A_187] : memref<16384xf32, #tpu.memory_space<hbm>> -> memref<6400xf32, #tpu.memory_space<hbm>>
    tpu.wait_dma2 semaphore(%arg16 : memref<!tpu.dma_semaphore, #tpu.memory_space<semaphore_mem>>) src(%dma_wait3A_188 : memref<6400xf32, #tpu.memory_space<hbm>>) dst(%arg11 : memref<6400xf32, #tpu.memory_space<vmem>>)
    %mul3A_189 = arith.constant 100 : i32
    %mul3A_190 = vector.broadcast %mul3A_189 : i32 to vector<16xi32>
    %mul3A_191 = arith.muli %iota3A, %mul3A_190 : vector<16xi32>
    %add3A_192 = arith.constant 0 : i32
    %add3A_193 = vector.broadcast %add3A_192 : i32 to vector<16xi32>
    %add3A_194 = arith.addi %mul3A_191, %add3A_193 : vector<16xi32>
    %mul3A_195 = arith.constant 100 : i32
    %mul3A_196 = vector.broadcast %mul3A_195 : i32 to vector<16xi32>
    %mul3A_197 = arith.muli %iota3A, %mul3A_196 : vector<16xi32>
    %add3A_198 = arith.constant 1600 : i32
    %add3A_199 = vector.broadcast %add3A_198 : i32 to vector<16xi32>
    %add3A_200 = arith.addi %mul3A_197, %add3A_199 : vector<16xi32>
    %mul3A_201 = arith.constant 100 : i32
    %mul3A_202 = vector.broadcast %mul3A_201 : i32 to vector<16xi32>
    %mul3A_203 = arith.muli %iota3A, %mul3A_202 : vector<16xi32>
    %add3A_204 = arith.constant 3200 : i32
    %add3A_205 = vector.broadcast %add3A_204 : i32 to vector<16xi32>
    %add3A_206 = arith.addi %mul3A_203, %add3A_205 : vector<16xi32>
    %mul3A_207 = arith.constant 100 : i32
    %mul3A_208 = vector.broadcast %mul3A_207 : i32 to vector<16xi32>
    %mul3A_209 = arith.muli %iota3A, %mul3A_208 : vector<16xi32>
    %add3A_210 = arith.constant 4800 : i32
    %add3A_211 = vector.broadcast %add3A_210 : i32 to vector<16xi32>
    %add3A_212 = arith.addi %mul3A_209, %add3A_211 : vector<16xi32>
    %broadcast_in_dim3A_213 = arith.constant 0.000000e+00 : f32
    %broadcast_in_dim3A_214 = vector.broadcast %broadcast_in_dim3A_213 : f32 to vector<16xf32>
    %scan3A_215 = arith.constant 0 : i32
    %scan3A_216 = arith.constant 100 : i32
    %scan3A_217 = arith.addi %scan3A_215, %scan3A_216 : i32
    %scan3A_218 = arith.constant 1 : i32
    %scan3A_219:4 = scf.for %scan3A_451 = %scan3A_215 to %scan3A_217 step %scan3A_218 iter_args(%scan3A_452 = %broadcast_in_dim3A_214, %scan3A_453 = %broadcast_in_dim3A_214, %scan3A_454 = %broadcast_in_dim3A_214, %scan3A_455 = %broadcast_in_dim3A_214) -> (vector<16xf32>, vector<16xf32>, vector<16xf32>, vector<16xf32>)  : i32 {
      %add3A_456 = vector.broadcast %scan3A_451 : i32 to vector<16xi32>
      %add3A_457 = arith.addi %add3A_194, %add3A_456 : vector<16xi32>
      %gather3A = tpu.vector_load_idx %arg11[%add3A_457] : memref<6400xf32, #tpu.memory_space<vmem>>[vector<16xi32>], vector<16xf32>,
      %gather3A_458 = tpu.vector_load_idx %arg9[%add3A_457] : memref<6400xf32, #tpu.memory_space<vmem>>[vector<16xi32>], vector<16xf32>,
      %mul3A_459 = arith.mulf %gather3A, %gather3A_458 : vector<16xf32>
      %add3A_460 = arith.addf %scan3A_452, %mul3A_459 : vector<16xf32>
      %add3A_461 = vector.broadcast %scan3A_451 : i32 to vector<16xi32>
      %add3A_462 = arith.addi %add3A_200, %add3A_461 : vector<16xi32>
      %gather3A_463 = tpu.vector_load_idx %arg11[%add3A_462] : memref<6400xf32, #tpu.memory_space<vmem>>[vector<16xi32>], vector<16xf32>,
      %gather3A_464 = tpu.vector_load_idx %arg9[%add3A_462] : memref<6400xf32, #tpu.memory_space<vmem>>[vector<16xi32>], vector<16xf32>,
      %mul3A_465 = arith.mulf %gather3A_463, %gather3A_464 : vector<16xf32>
      %add3A_466 = arith.addf %scan3A_453, %mul3A_465 : vector<16xf32>
      %add3A_467 = vector.broadcast %scan3A_451 : i32 to vector<16xi32>
      %add3A_468 = arith.addi %add3A_206, %add3A_467 : vector<16xi32>
      %gather3A_469 = tpu.vector_load_idx %arg11[%add3A_468] : memref<6400xf32, #tpu.memory_space<vmem>>[vector<16xi32>], vector<16xf32>,
      %gather3A_470 = tpu.vector_load_idx %arg9[%add3A_468] : memref<6400xf32, #tpu.memory_space<vmem>>[vector<16xi32>], vector<16xf32>,
      %mul3A_471 = arith.mulf %gather3A_469, %gather3A_470 : vector<16xf32>
      %add3A_472 = arith.addf %scan3A_454, %mul3A_471 : vector<16xf32>
      %add3A_473 = vector.broadcast %scan3A_451 : i32 to vector<16xi32>
      %add3A_474 = arith.addi %add3A_212, %add3A_473 : vector<16xi32>
      %gather3A_475 = tpu.vector_load_idx %arg11[%add3A_474] : memref<6400xf32, #tpu.memory_space<vmem>>[vector<16xi32>], vector<16xf32>,
      %gather3A_476 = tpu.vector_load_idx %arg9[%add3A_474] : memref<6400xf32, #tpu.memory_space<vmem>>[vector<16xi32>], vector<16xf32>,
      %mul3A_477 = arith.mulf %gather3A_475, %gather3A_476 : vector<16xf32>
      %add3A_478 = arith.addf %scan3A_455, %mul3A_477 : vector<16xf32>
      scf.yield %add3A_460, %add3A_466, %add3A_472, %add3A_478 : vector<16xf32>, vector<16xf32>, vector<16xf32>, vector<16xf32>
    }
    %scan3A_220 = arith.constant 100 : i32
    %swap3A_221 = arith.constant 0 : index
    %swap3A_222 = tpu.vector_load %arg12[%swap3A_221] {strides = array<i32>} : memref<64xf32, #tpu.memory_space<vmem>>, vector<16xf32>,
    tpu.vector_store %arg12[%swap3A_221], %scan3A_219#0 {strides = array<i32>} : memref<64xf32, #tpu.memory_space<vmem>>, vector<16xf32>,
    %swap3A_223 = arith.constant 16 : index
    %swap3A_224 = tpu.vector_load %arg12[%swap3A_223] {strides = array<i32>} : memref<64xf32, #tpu.memory_space<vmem>>, vector<16xf32>,
    tpu.vector_store %arg12[%swap3A_223], %scan3A_219#1 {strides = array<i32>} : memref<64xf32, #tpu.memory_space<vmem>>, vector<16xf32>,
    %swap3A_225 = arith.constant 32 : index
    %swap3A_226 = tpu.vector_load %arg12[%swap3A_225] {strides = array<i32>} : memref<64xf32, #tpu.memory_space<vmem>>, vector<16xf32>,
    tpu.vector_store %arg12[%swap3A_225], %scan3A_219#2 {strides = array<i32>} : memref<64xf32, #tpu.memory_space<vmem>>, vector<16xf32>,
    %swap3A_227 = arith.constant 48 : index
    %swap3A_228 = tpu.vector_load %arg12[%swap3A_227] {strides = array<i32>} : memref<64xf32, #tpu.memory_space<vmem>>, vector<16xf32>,
    tpu.vector_store %arg12[%swap3A_227], %scan3A_219#3 {strides = array<i32>} : memref<64xf32, #tpu.memory_space<vmem>>, vector<16xf32>,
    %mul3A_229 = arith.constant 512 : i32
    %mul3A_230 = arith.muli %add3A, %mul3A_229 : i32
    %add3A_231 = arith.constant 192 : i32
    %add3A_232 = arith.addi %mul3A_230, %add3A_231 : i32
    %multiple_of3A_233 = tpu.assume_multiple %add3A_232, 64 : i32
    "tpu.region"() ({
      %run_scoped3A = tpu.sem_alloc : memref<!tpu.dma_semaphore, #tpu.memory_space<semaphore_mem>>
      %dma_start3A_451 = tpu.memref_slice %arg5[%multiple_of3A_233] : memref<16384xf32, #tpu.memory_space<hbm>> -> memref<64xf32, #tpu.memory_space<hbm>>
      %dma_start3A_452 = tpu.memref_slice %arg5[%multiple_of3A_233] : memref<16384xf32, #tpu.memory_space<hbm>> -> memref<64xf32, #tpu.memory_space<hbm>>
      tpu.enqueue_dma source(%arg12 : memref<64xf32, #tpu.memory_space<vmem>>) target(%dma_start3A_452 : memref<64xf32, #tpu.memory_space<hbm>>) target_semaphore(%run_scoped3A : memref<!tpu.dma_semaphore, #tpu.memory_space<semaphore_mem>>)
      %dma_wait3A_453 = tpu.memref_slice %arg5[%multiple_of3A_233] : memref<16384xf32, #tpu.memory_space<hbm>> -> memref<64xf32, #tpu.memory_space<hbm>>
      %dma_wait3A_454 = tpu.memref_slice %arg5[%multiple_of3A_233] : memref<16384xf32, #tpu.memory_space<hbm>> -> memref<64xf32, #tpu.memory_space<hbm>>
      tpu.wait_dma2 semaphore(%run_scoped3A : memref<!tpu.dma_semaphore, #tpu.memory_space<semaphore_mem>>) src(%arg12 : memref<64xf32, #tpu.memory_space<vmem>>) dst(%dma_wait3A_454 : memref<64xf32, #tpu.memory_space<hbm>>)
      tpu.yield
    }) : () -> ()
    %mul3A_234 = arith.constant 51200 : i32
    %mul3A_235 = arith.muli %add3A, %mul3A_234 : i32
    %add3A_236 = arith.constant 32000 : i32
    %add3A_237 = arith.addi %mul3A_235, %add3A_236 : i32
    %multiple_of3A_238 = tpu.assume_multiple %add3A_237, 128 : i32
    "tpu.region"() ({
      %run_scoped3A = tpu.sem_alloc : memref<!tpu.dma_semaphore, #tpu.memory_space<semaphore_mem>>
      %dma_start3A_451 = tpu.memref_slice %arg2[%multiple_of3A_238] : memref<1638400xi32, #tpu.memory_space<hbm>> -> memref<6400xi32, #tpu.memory_space<hbm>>
      %dma_start3A_452 = tpu.memref_slice %arg2[%multiple_of3A_238] : memref<1638400xi32, #tpu.memory_space<hbm>> -> memref<6400xi32, #tpu.memory_space<hbm>>
      tpu.enqueue_dma source(%dma_start3A_452 : memref<6400xi32, #tpu.memory_space<hbm>>) target(%arg7 : memref<6400xi32, #tpu.memory_space<vmem>>) target_semaphore(%run_scoped3A : memref<!tpu.dma_semaphore, #tpu.memory_space<semaphore_mem>>)
      %dma_wait3A_453 = tpu.memref_slice %arg2[%multiple_of3A_238] : memref<1638400xi32, #tpu.memory_space<hbm>> -> memref<6400xi32, #tpu.memory_space<hbm>>
      %dma_wait3A_454 = tpu.memref_slice %arg2[%multiple_of3A_238] : memref<1638400xi32, #tpu.memory_space<hbm>> -> memref<6400xi32, #tpu.memory_space<hbm>>
      tpu.wait_dma2 semaphore(%run_scoped3A : memref<!tpu.dma_semaphore, #tpu.memory_space<semaphore_mem>>) src(%dma_wait3A_454 : memref<6400xi32, #tpu.memory_space<hbm>>) dst(%arg7 : memref<6400xi32, #tpu.memory_space<vmem>>)
      tpu.yield
    }) : () -> ()
    %dma_start3A_239 = arith.constant 0 : i32
    %dma_start3A_240 = tpu.memref_slice %arg14[%dma_start3A_239] : memref<1000000xf32, #tpu.memory_space<vmem_shared>> -> memref<1000000xf32, #tpu.memory_space<vmem_shared>>
    tpu.enqueue_indirect_dma source(%dma_start3A_240 : memref<1000000xf32, #tpu.memory_space<vmem_shared>>) target(%arg11 : memref<6400xf32, #tpu.memory_space<vmem>>) offsets(%arg7 : memref<6400xi32, #tpu.memory_space<vmem>>) semaphore(%arg16 : memref<!tpu.dma_semaphore, #tpu.memory_space<semaphore_mem>>)
    "tpu.region"() ({
      %run_scoped3A = tpu.sem_alloc : memref<!tpu.dma_semaphore, #tpu.memory_space<semaphore_mem>>
      %dma_start3A_451 = tpu.memref_slice %arg3[%multiple_of3A_238] : memref<1638400xf32, #tpu.memory_space<hbm>> -> memref<6400xf32, #tpu.memory_space<hbm>>
      %dma_start3A_452 = tpu.memref_slice %arg3[%multiple_of3A_238] : memref<1638400xf32, #tpu.memory_space<hbm>> -> memref<6400xf32, #tpu.memory_space<hbm>>
      tpu.enqueue_dma source(%dma_start3A_452 : memref<6400xf32, #tpu.memory_space<hbm>>) target(%arg9 : memref<6400xf32, #tpu.memory_space<vmem>>) target_semaphore(%run_scoped3A : memref<!tpu.dma_semaphore, #tpu.memory_space<semaphore_mem>>)
      %dma_wait3A_453 = tpu.memref_slice %arg3[%multiple_of3A_238] : memref<1638400xf32, #tpu.memory_space<hbm>> -> memref<6400xf32, #tpu.memory_space<hbm>>
      %dma_wait3A_454 = tpu.memref_slice %arg3[%multiple_of3A_238] : memref<1638400xf32, #tpu.memory_space<hbm>> -> memref<6400xf32, #tpu.memory_space<hbm>>
      tpu.wait_dma2 semaphore(%run_scoped3A : memref<!tpu.dma_semaphore, #tpu.memory_space<semaphore_mem>>) src(%dma_wait3A_454 : memref<6400xf32, #tpu.memory_space<hbm>>) dst(%arg9 : memref<6400xf32, #tpu.memory_space<vmem>>)
      tpu.yield
    }) : () -> ()
    %dma_wait3A_241 = arith.constant 0 : i32
    %dma_wait3A_242 = tpu.memref_slice %arg5[%dma_wait3A_241] : memref<16384xf32, #tpu.memory_space<hbm>> -> memref<6400xf32, #tpu.memory_space<hbm>>
    %dma_wait3A_243 = arith.constant 0 : i32
    %dma_wait3A_244 = tpu.memref_slice %arg5[%dma_wait3A_243] : memref<16384xf32, #tpu.memory_space<hbm>> -> memref<6400xf32, #tpu.memory_space<hbm>>
    tpu.wait_dma2 semaphore(%arg15 : memref<!tpu.dma_semaphore, #tpu.memory_space<semaphore_mem>>) src(%dma_wait3A_244 : memref<6400xf32, #tpu.memory_space<hbm>>) dst(%arg10 : memref<6400xf32, #tpu.memory_space<vmem>>)
    %mul3A_245 = arith.constant 100 : i32
    %mul3A_246 = vector.broadcast %mul3A_245 : i32 to vector<16xi32>
    %mul3A_247 = arith.muli %iota3A, %mul3A_246 : vector<16xi32>
    %add3A_248 = arith.constant 0 : i32
    %add3A_249 = vector.broadcast %add3A_248 : i32 to vector<16xi32>
    %add3A_250 = arith.addi %mul3A_247, %add3A_249 : vector<16xi32>
    %mul3A_251 = arith.constant 100 : i32
    %mul3A_252 = vector.broadcast %mul3A_251 : i32 to vector<16xi32>
    %mul3A_253 = arith.muli %iota3A, %mul3A_252 : vector<16xi32>
    %add3A_254 = arith.constant 1600 : i32
    %add3A_255 = vector.broadcast %add3A_254 : i32 to vector<16xi32>
    %add3A_256 = arith.addi %mul3A_253, %add3A_255 : vector<16xi32>
    %mul3A_257 = arith.constant 100 : i32
    %mul3A_258 = vector.broadcast %mul3A_257 : i32 to vector<16xi32>
    %mul3A_259 = arith.muli %iota3A, %mul3A_258 : vector<16xi32>
    %add3A_260 = arith.constant 3200 : i32
    %add3A_261 = vector.broadcast %add3A_260 : i32 to vector<16xi32>
    %add3A_262 = arith.addi %mul3A_259, %add3A_261 : vector<16xi32>
    %mul3A_263 = arith.constant 100 : i32
    %mul3A_264 = vector.broadcast %mul3A_263 : i32 to vector<16xi32>
    %mul3A_265 = arith.muli %iota3A, %mul3A_264 : vector<16xi32>
    %add3A_266 = arith.constant 4800 : i32
    %add3A_267 = vector.broadcast %add3A_266 : i32 to vector<16xi32>
    %add3A_268 = arith.addi %mul3A_265, %add3A_267 : vector<16xi32>
    %broadcast_in_dim3A_269 = arith.constant 0.000000e+00 : f32
    %broadcast_in_dim3A_270 = vector.broadcast %broadcast_in_dim3A_269 : f32 to vector<16xf32>
    %scan3A_271 = arith.constant 0 : i32
    %scan3A_272 = arith.constant 100 : i32
    %scan3A_273 = arith.addi %scan3A_271, %scan3A_272 : i32
    %scan3A_274 = arith.constant 1 : i32
    %scan3A_275:4 = scf.for %scan3A_451 = %scan3A_271 to %scan3A_273 step %scan3A_274 iter_args(%scan3A_452 = %broadcast_in_dim3A_270, %scan3A_453 = %broadcast_in_dim3A_270, %scan3A_454 = %broadcast_in_dim3A_270, %scan3A_455 = %broadcast_in_dim3A_270) -> (vector<16xf32>, vector<16xf32>, vector<16xf32>, vector<16xf32>)  : i32 {
      %add3A_456 = vector.broadcast %scan3A_451 : i32 to vector<16xi32>
      %add3A_457 = arith.addi %add3A_250, %add3A_456 : vector<16xi32>
      %gather3A = tpu.vector_load_idx %arg10[%add3A_457] : memref<6400xf32, #tpu.memory_space<vmem>>[vector<16xi32>], vector<16xf32>,
      %gather3A_458 = tpu.vector_load_idx %arg8[%add3A_457] : memref<6400xf32, #tpu.memory_space<vmem>>[vector<16xi32>], vector<16xf32>,
      %mul3A_459 = arith.mulf %gather3A, %gather3A_458 : vector<16xf32>
      %add3A_460 = arith.addf %scan3A_452, %mul3A_459 : vector<16xf32>
      %add3A_461 = vector.broadcast %scan3A_451 : i32 to vector<16xi32>
      %add3A_462 = arith.addi %add3A_256, %add3A_461 : vector<16xi32>
      %gather3A_463 = tpu.vector_load_idx %arg10[%add3A_462] : memref<6400xf32, #tpu.memory_space<vmem>>[vector<16xi32>], vector<16xf32>,
      %gather3A_464 = tpu.vector_load_idx %arg8[%add3A_462] : memref<6400xf32, #tpu.memory_space<vmem>>[vector<16xi32>], vector<16xf32>,
      %mul3A_465 = arith.mulf %gather3A_463, %gather3A_464 : vector<16xf32>
      %add3A_466 = arith.addf %scan3A_453, %mul3A_465 : vector<16xf32>
      %add3A_467 = vector.broadcast %scan3A_451 : i32 to vector<16xi32>
      %add3A_468 = arith.addi %add3A_262, %add3A_467 : vector<16xi32>
      %gather3A_469 = tpu.vector_load_idx %arg10[%add3A_468] : memref<6400xf32, #tpu.memory_space<vmem>>[vector<16xi32>], vector<16xf32>,
      %gather3A_470 = tpu.vector_load_idx %arg8[%add3A_468] : memref<6400xf32, #tpu.memory_space<vmem>>[vector<16xi32>], vector<16xf32>,
      %mul3A_471 = arith.mulf %gather3A_469, %gather3A_470 : vector<16xf32>
      %add3A_472 = arith.addf %scan3A_454, %mul3A_471 : vector<16xf32>
      %add3A_473 = vector.broadcast %scan3A_451 : i32 to vector<16xi32>
      %add3A_474 = arith.addi %add3A_268, %add3A_473 : vector<16xi32>
      %gather3A_475 = tpu.vector_load_idx %arg10[%add3A_474] : memref<6400xf32, #tpu.memory_space<vmem>>[vector<16xi32>], vector<16xf32>,
      %gather3A_476 = tpu.vector_load_idx %arg8[%add3A_474] : memref<6400xf32, #tpu.memory_space<vmem>>[vector<16xi32>], vector<16xf32>,
      %mul3A_477 = arith.mulf %gather3A_475, %gather3A_476 : vector<16xf32>
      %add3A_478 = arith.addf %scan3A_455, %mul3A_477 : vector<16xf32>
      scf.yield %add3A_460, %add3A_466, %add3A_472, %add3A_478 : vector<16xf32>, vector<16xf32>, vector<16xf32>, vector<16xf32>
    }
    %scan3A_276 = arith.constant 100 : i32
    %swap3A_277 = arith.constant 0 : index
    %swap3A_278 = tpu.vector_load %arg12[%swap3A_277] {strides = array<i32>} : memref<64xf32, #tpu.memory_space<vmem>>, vector<16xf32>,
    tpu.vector_store %arg12[%swap3A_277], %scan3A_275#0 {strides = array<i32>} : memref<64xf32, #tpu.memory_space<vmem>>, vector<16xf32>,
    %swap3A_279 = arith.constant 16 : index
    %swap3A_280 = tpu.vector_load %arg12[%swap3A_279] {strides = array<i32>} : memref<64xf32, #tpu.memory_space<vmem>>, vector<16xf32>,
    tpu.vector_store %arg12[%swap3A_279], %scan3A_275#1 {strides = array<i32>} : memref<64xf32, #tpu.memory_space<vmem>>, vector<16xf32>,
    %swap3A_281 = arith.constant 32 : index
    %swap3A_282 = tpu.vector_load %arg12[%swap3A_281] {strides = array<i32>} : memref<64xf32, #tpu.memory_space<vmem>>, vector<16xf32>,
    tpu.vector_store %arg12[%swap3A_281], %scan3A_275#2 {strides = array<i32>} : memref<64xf32, #tpu.memory_space<vmem>>, vector<16xf32>,
    %swap3A_283 = arith.constant 48 : index
    %swap3A_284 = tpu.vector_load %arg12[%swap3A_283] {strides = array<i32>} : memref<64xf32, #tpu.memory_space<vmem>>, vector<16xf32>,
    tpu.vector_store %arg12[%swap3A_283], %scan3A_275#3 {strides = array<i32>} : memref<64xf32, #tpu.memory_space<vmem>>, vector<16xf32>,
    %mul3A_285 = arith.constant 512 : i32
    %mul3A_286 = arith.muli %add3A, %mul3A_285 : i32
    %add3A_287 = arith.constant 256 : i32
    %add3A_288 = arith.addi %mul3A_286, %add3A_287 : i32
    %multiple_of3A_289 = tpu.assume_multiple %add3A_288, 64 : i32
    "tpu.region"() ({
      %run_scoped3A = tpu.sem_alloc : memref<!tpu.dma_semaphore, #tpu.memory_space<semaphore_mem>>
      %dma_start3A_451 = tpu.memref_slice %arg5[%multiple_of3A_289] : memref<16384xf32, #tpu.memory_space<hbm>> -> memref<64xf32, #tpu.memory_space<hbm>>
      %dma_start3A_452 = tpu.memref_slice %arg5[%multiple_of3A_289] : memref<16384xf32, #tpu.memory_space<hbm>> -> memref<64xf32, #tpu.memory_space<hbm>>
      tpu.enqueue_dma source(%arg12 : memref<64xf32, #tpu.memory_space<vmem>>) target(%dma_start3A_452 : memref<64xf32, #tpu.memory_space<hbm>>) target_semaphore(%run_scoped3A : memref<!tpu.dma_semaphore, #tpu.memory_space<semaphore_mem>>)
      %dma_wait3A_453 = tpu.memref_slice %arg5[%multiple_of3A_289] : memref<16384xf32, #tpu.memory_space<hbm>> -> memref<64xf32, #tpu.memory_space<hbm>>
      %dma_wait3A_454 = tpu.memref_slice %arg5[%multiple_of3A_289] : memref<16384xf32, #tpu.memory_space<hbm>> -> memref<64xf32, #tpu.memory_space<hbm>>
      tpu.wait_dma2 semaphore(%run_scoped3A : memref<!tpu.dma_semaphore, #tpu.memory_space<semaphore_mem>>) src(%arg12 : memref<64xf32, #tpu.memory_space<vmem>>) dst(%dma_wait3A_454 : memref<64xf32, #tpu.memory_space<hbm>>)
      tpu.yield
    }) : () -> ()
    %mul3A_290 = arith.constant 51200 : i32
    %mul3A_291 = arith.muli %add3A, %mul3A_290 : i32
    %add3A_292 = arith.constant 38400 : i32
    %add3A_293 = arith.addi %mul3A_291, %add3A_292 : i32
    %multiple_of3A_294 = tpu.assume_multiple %add3A_293, 128 : i32
    "tpu.region"() ({
      %run_scoped3A = tpu.sem_alloc : memref<!tpu.dma_semaphore, #tpu.memory_space<semaphore_mem>>
      %dma_start3A_451 = tpu.memref_slice %arg2[%multiple_of3A_294] : memref<1638400xi32, #tpu.memory_space<hbm>> -> memref<6400xi32, #tpu.memory_space<hbm>>
      %dma_start3A_452 = tpu.memref_slice %arg2[%multiple_of3A_294] : memref<1638400xi32, #tpu.memory_space<hbm>> -> memref<6400xi32, #tpu.memory_space<hbm>>
      tpu.enqueue_dma source(%dma_start3A_452 : memref<6400xi32, #tpu.memory_space<hbm>>) target(%arg6 : memref<6400xi32, #tpu.memory_space<vmem>>) target_semaphore(%run_scoped3A : memref<!tpu.dma_semaphore, #tpu.memory_space<semaphore_mem>>)
      %dma_wait3A_453 = tpu.memref_slice %arg2[%multiple_of3A_294] : memref<1638400xi32, #tpu.memory_space<hbm>> -> memref<6400xi32, #tpu.memory_space<hbm>>
      %dma_wait3A_454 = tpu.memref_slice %arg2[%multiple_of3A_294] : memref<1638400xi32, #tpu.memory_space<hbm>> -> memref<6400xi32, #tpu.memory_space<hbm>>
      tpu.wait_dma2 semaphore(%run_scoped3A : memref<!tpu.dma_semaphore, #tpu.memory_space<semaphore_mem>>) src(%dma_wait3A_454 : memref<6400xi32, #tpu.memory_space<hbm>>) dst(%arg6 : memref<6400xi32, #tpu.memory_space<vmem>>)
      tpu.yield
    }) : () -> ()
    %dma_start3A_295 = arith.constant 0 : i32
    %dma_start3A_296 = tpu.memref_slice %arg14[%dma_start3A_295] : memref<1000000xf32, #tpu.memory_space<vmem_shared>> -> memref<1000000xf32, #tpu.memory_space<vmem_shared>>
    tpu.enqueue_indirect_dma source(%dma_start3A_296 : memref<1000000xf32, #tpu.memory_space<vmem_shared>>) target(%arg10 : memref<6400xf32, #tpu.memory_space<vmem>>) offsets(%arg6 : memref<6400xi32, #tpu.memory_space<vmem>>) semaphore(%arg15 : memref<!tpu.dma_semaphore, #tpu.memory_space<semaphore_mem>>)
    "tpu.region"() ({
      %run_scoped3A = tpu.sem_alloc : memref<!tpu.dma_semaphore, #tpu.memory_space<semaphore_mem>>
      %dma_start3A_451 = tpu.memref_slice %arg3[%multiple_of3A_294] : memref<1638400xf32, #tpu.memory_space<hbm>> -> memref<6400xf32, #tpu.memory_space<hbm>>
      %dma_start3A_452 = tpu.memref_slice %arg3[%multiple_of3A_294] : memref<1638400xf32, #tpu.memory_space<hbm>> -> memref<6400xf32, #tpu.memory_space<hbm>>
      tpu.enqueue_dma source(%dma_start3A_452 : memref<6400xf32, #tpu.memory_space<hbm>>) target(%arg8 : memref<6400xf32, #tpu.memory_space<vmem>>) target_semaphore(%run_scoped3A : memref<!tpu.dma_semaphore, #tpu.memory_space<semaphore_mem>>)
      %dma_wait3A_453 = tpu.memref_slice %arg3[%multiple_of3A_294] : memref<1638400xf32, #tpu.memory_space<hbm>> -> memref<6400xf32, #tpu.memory_space<hbm>>
      %dma_wait3A_454 = tpu.memref_slice %arg3[%multiple_of3A_294] : memref<1638400xf32, #tpu.memory_space<hbm>> -> memref<6400xf32, #tpu.memory_space<hbm>>
      tpu.wait_dma2 semaphore(%run_scoped3A : memref<!tpu.dma_semaphore, #tpu.memory_space<semaphore_mem>>) src(%dma_wait3A_454 : memref<6400xf32, #tpu.memory_space<hbm>>) dst(%arg8 : memref<6400xf32, #tpu.memory_space<vmem>>)
      tpu.yield
    }) : () -> ()
    %dma_wait3A_297 = arith.constant 0 : i32
    %dma_wait3A_298 = tpu.memref_slice %arg5[%dma_wait3A_297] : memref<16384xf32, #tpu.memory_space<hbm>> -> memref<6400xf32, #tpu.memory_space<hbm>>
    %dma_wait3A_299 = arith.constant 0 : i32
    %dma_wait3A_300 = tpu.memref_slice %arg5[%dma_wait3A_299] : memref<16384xf32, #tpu.memory_space<hbm>> -> memref<6400xf32, #tpu.memory_space<hbm>>
    tpu.wait_dma2 semaphore(%arg16 : memref<!tpu.dma_semaphore, #tpu.memory_space<semaphore_mem>>) src(%dma_wait3A_300 : memref<6400xf32, #tpu.memory_space<hbm>>) dst(%arg11 : memref<6400xf32, #tpu.memory_space<vmem>>)
    %mul3A_301 = arith.constant 100 : i32
    %mul3A_302 = vector.broadcast %mul3A_301 : i32 to vector<16xi32>
    %mul3A_303 = arith.muli %iota3A, %mul3A_302 : vector<16xi32>
    %add3A_304 = arith.constant 0 : i32
    %add3A_305 = vector.broadcast %add3A_304 : i32 to vector<16xi32>
    %add3A_306 = arith.addi %mul3A_303, %add3A_305 : vector<16xi32>
    %mul3A_307 = arith.constant 100 : i32
    %mul3A_308 = vector.broadcast %mul3A_307 : i32 to vector<16xi32>
    %mul3A_309 = arith.muli %iota3A, %mul3A_308 : vector<16xi32>
    %add3A_310 = arith.constant 1600 : i32
    %add3A_311 = vector.broadcast %add3A_310 : i32 to vector<16xi32>
    %add3A_312 = arith.addi %mul3A_309, %add3A_311 : vector<16xi32>
    %mul3A_313 = arith.constant 100 : i32
    %mul3A_314 = vector.broadcast %mul3A_313 : i32 to vector<16xi32>
    %mul3A_315 = arith.muli %iota3A, %mul3A_314 : vector<16xi32>
    %add3A_316 = arith.constant 3200 : i32
    %add3A_317 = vector.broadcast %add3A_316 : i32 to vector<16xi32>
    %add3A_318 = arith.addi %mul3A_315, %add3A_317 : vector<16xi32>
    %mul3A_319 = arith.constant 100 : i32
    %mul3A_320 = vector.broadcast %mul3A_319 : i32 to vector<16xi32>
    %mul3A_321 = arith.muli %iota3A, %mul3A_320 : vector<16xi32>
    %add3A_322 = arith.constant 4800 : i32
    %add3A_323 = vector.broadcast %add3A_322 : i32 to vector<16xi32>
    %add3A_324 = arith.addi %mul3A_321, %add3A_323 : vector<16xi32>
    %broadcast_in_dim3A_325 = arith.constant 0.000000e+00 : f32
    %broadcast_in_dim3A_326 = vector.broadcast %broadcast_in_dim3A_325 : f32 to vector<16xf32>
    %scan3A_327 = arith.constant 0 : i32
    %scan3A_328 = arith.constant 100 : i32
    %scan3A_329 = arith.addi %scan3A_327, %scan3A_328 : i32
    %scan3A_330 = arith.constant 1 : i32
    %scan3A_331:4 = scf.for %scan3A_451 = %scan3A_327 to %scan3A_329 step %scan3A_330 iter_args(%scan3A_452 = %broadcast_in_dim3A_326, %scan3A_453 = %broadcast_in_dim3A_326, %scan3A_454 = %broadcast_in_dim3A_326, %scan3A_455 = %broadcast_in_dim3A_326) -> (vector<16xf32>, vector<16xf32>, vector<16xf32>, vector<16xf32>)  : i32 {
      %add3A_456 = vector.broadcast %scan3A_451 : i32 to vector<16xi32>
      %add3A_457 = arith.addi %add3A_306, %add3A_456 : vector<16xi32>
      %gather3A = tpu.vector_load_idx %arg11[%add3A_457] : memref<6400xf32, #tpu.memory_space<vmem>>[vector<16xi32>], vector<16xf32>,
      %gather3A_458 = tpu.vector_load_idx %arg9[%add3A_457] : memref<6400xf32, #tpu.memory_space<vmem>>[vector<16xi32>], vector<16xf32>,
      %mul3A_459 = arith.mulf %gather3A, %gather3A_458 : vector<16xf32>
      %add3A_460 = arith.addf %scan3A_452, %mul3A_459 : vector<16xf32>
      %add3A_461 = vector.broadcast %scan3A_451 : i32 to vector<16xi32>
      %add3A_462 = arith.addi %add3A_312, %add3A_461 : vector<16xi32>
      %gather3A_463 = tpu.vector_load_idx %arg11[%add3A_462] : memref<6400xf32, #tpu.memory_space<vmem>>[vector<16xi32>], vector<16xf32>,
      %gather3A_464 = tpu.vector_load_idx %arg9[%add3A_462] : memref<6400xf32, #tpu.memory_space<vmem>>[vector<16xi32>], vector<16xf32>,
      %mul3A_465 = arith.mulf %gather3A_463, %gather3A_464 : vector<16xf32>
      %add3A_466 = arith.addf %scan3A_453, %mul3A_465 : vector<16xf32>
      %add3A_467 = vector.broadcast %scan3A_451 : i32 to vector<16xi32>
      %add3A_468 = arith.addi %add3A_318, %add3A_467 : vector<16xi32>
      %gather3A_469 = tpu.vector_load_idx %arg11[%add3A_468] : memref<6400xf32, #tpu.memory_space<vmem>>[vector<16xi32>], vector<16xf32>,
      %gather3A_470 = tpu.vector_load_idx %arg9[%add3A_468] : memref<6400xf32, #tpu.memory_space<vmem>>[vector<16xi32>], vector<16xf32>,
      %mul3A_471 = arith.mulf %gather3A_469, %gather3A_470 : vector<16xf32>
      %add3A_472 = arith.addf %scan3A_454, %mul3A_471 : vector<16xf32>
      %add3A_473 = vector.broadcast %scan3A_451 : i32 to vector<16xi32>
      %add3A_474 = arith.addi %add3A_324, %add3A_473 : vector<16xi32>
      %gather3A_475 = tpu.vector_load_idx %arg11[%add3A_474] : memref<6400xf32, #tpu.memory_space<vmem>>[vector<16xi32>], vector<16xf32>,
      %gather3A_476 = tpu.vector_load_idx %arg9[%add3A_474] : memref<6400xf32, #tpu.memory_space<vmem>>[vector<16xi32>], vector<16xf32>,
      %mul3A_477 = arith.mulf %gather3A_475, %gather3A_476 : vector<16xf32>
      %add3A_478 = arith.addf %scan3A_455, %mul3A_477 : vector<16xf32>
      scf.yield %add3A_460, %add3A_466, %add3A_472, %add3A_478 : vector<16xf32>, vector<16xf32>, vector<16xf32>, vector<16xf32>
    }
    %scan3A_332 = arith.constant 100 : i32
    %swap3A_333 = arith.constant 0 : index
    %swap3A_334 = tpu.vector_load %arg12[%swap3A_333] {strides = array<i32>} : memref<64xf32, #tpu.memory_space<vmem>>, vector<16xf32>,
    tpu.vector_store %arg12[%swap3A_333], %scan3A_331#0 {strides = array<i32>} : memref<64xf32, #tpu.memory_space<vmem>>, vector<16xf32>,
    %swap3A_335 = arith.constant 16 : index
    %swap3A_336 = tpu.vector_load %arg12[%swap3A_335] {strides = array<i32>} : memref<64xf32, #tpu.memory_space<vmem>>, vector<16xf32>,
    tpu.vector_store %arg12[%swap3A_335], %scan3A_331#1 {strides = array<i32>} : memref<64xf32, #tpu.memory_space<vmem>>, vector<16xf32>,
    %swap3A_337 = arith.constant 32 : index
    %swap3A_338 = tpu.vector_load %arg12[%swap3A_337] {strides = array<i32>} : memref<64xf32, #tpu.memory_space<vmem>>, vector<16xf32>,
    tpu.vector_store %arg12[%swap3A_337], %scan3A_331#2 {strides = array<i32>} : memref<64xf32, #tpu.memory_space<vmem>>, vector<16xf32>,
    %swap3A_339 = arith.constant 48 : index
    %swap3A_340 = tpu.vector_load %arg12[%swap3A_339] {strides = array<i32>} : memref<64xf32, #tpu.memory_space<vmem>>, vector<16xf32>,
    tpu.vector_store %arg12[%swap3A_339], %scan3A_331#3 {strides = array<i32>} : memref<64xf32, #tpu.memory_space<vmem>>, vector<16xf32>,
    %mul3A_341 = arith.constant 512 : i32
    %mul3A_342 = arith.muli %add3A, %mul3A_341 : i32
    %add3A_343 = arith.constant 320 : i32
    %add3A_344 = arith.addi %mul3A_342, %add3A_343 : i32
    %multiple_of3A_345 = tpu.assume_multiple %add3A_344, 64 : i32
    "tpu.region"() ({
      %run_scoped3A = tpu.sem_alloc : memref<!tpu.dma_semaphore, #tpu.memory_space<semaphore_mem>>
      %dma_start3A_451 = tpu.memref_slice %arg5[%multiple_of3A_345] : memref<16384xf32, #tpu.memory_space<hbm>> -> memref<64xf32, #tpu.memory_space<hbm>>
      %dma_start3A_452 = tpu.memref_slice %arg5[%multiple_of3A_345] : memref<16384xf32, #tpu.memory_space<hbm>> -> memref<64xf32, #tpu.memory_space<hbm>>
      tpu.enqueue_dma source(%arg12 : memref<64xf32, #tpu.memory_space<vmem>>) target(%dma_start3A_452 : memref<64xf32, #tpu.memory_space<hbm>>) target_semaphore(%run_scoped3A : memref<!tpu.dma_semaphore, #tpu.memory_space<semaphore_mem>>)
      %dma_wait3A_453 = tpu.memref_slice %arg5[%multiple_of3A_345] : memref<16384xf32, #tpu.memory_space<hbm>> -> memref<64xf32, #tpu.memory_space<hbm>>
      %dma_wait3A_454 = tpu.memref_slice %arg5[%multiple_of3A_345] : memref<16384xf32, #tpu.memory_space<hbm>> -> memref<64xf32, #tpu.memory_space<hbm>>
      tpu.wait_dma2 semaphore(%run_scoped3A : memref<!tpu.dma_semaphore, #tpu.memory_space<semaphore_mem>>) src(%arg12 : memref<64xf32, #tpu.memory_space<vmem>>) dst(%dma_wait3A_454 : memref<64xf32, #tpu.memory_space<hbm>>)
      tpu.yield
    }) : () -> ()
    %mul3A_346 = arith.constant 51200 : i32
    %mul3A_347 = arith.muli %add3A, %mul3A_346 : i32
    %add3A_348 = arith.constant 44800 : i32
    %add3A_349 = arith.addi %mul3A_347, %add3A_348 : i32
    %multiple_of3A_350 = tpu.assume_multiple %add3A_349, 128 : i32
    "tpu.region"() ({
      %run_scoped3A = tpu.sem_alloc : memref<!tpu.dma_semaphore, #tpu.memory_space<semaphore_mem>>
      %dma_start3A_451 = tpu.memref_slice %arg2[%multiple_of3A_350] : memref<1638400xi32, #tpu.memory_space<hbm>> -> memref<6400xi32, #tpu.memory_space<hbm>>
      %dma_start3A_452 = tpu.memref_slice %arg2[%multiple_of3A_350] : memref<1638400xi32, #tpu.memory_space<hbm>> -> memref<6400xi32, #tpu.memory_space<hbm>>
      tpu.enqueue_dma source(%dma_start3A_452 : memref<6400xi32, #tpu.memory_space<hbm>>) target(%arg7 : memref<6400xi32, #tpu.memory_space<vmem>>) target_semaphore(%run_scoped3A : memref<!tpu.dma_semaphore, #tpu.memory_space<semaphore_mem>>)
      %dma_wait3A_453 = tpu.memref_slice %arg2[%multiple_of3A_350] : memref<1638400xi32, #tpu.memory_space<hbm>> -> memref<6400xi32, #tpu.memory_space<hbm>>
      %dma_wait3A_454 = tpu.memref_slice %arg2[%multiple_of3A_350] : memref<1638400xi32, #tpu.memory_space<hbm>> -> memref<6400xi32, #tpu.memory_space<hbm>>
      tpu.wait_dma2 semaphore(%run_scoped3A : memref<!tpu.dma_semaphore, #tpu.memory_space<semaphore_mem>>) src(%dma_wait3A_454 : memref<6400xi32, #tpu.memory_space<hbm>>) dst(%arg7 : memref<6400xi32, #tpu.memory_space<vmem>>)
      tpu.yield
    }) : () -> ()
    %dma_start3A_351 = arith.constant 0 : i32
    %dma_start3A_352 = tpu.memref_slice %arg14[%dma_start3A_351] : memref<1000000xf32, #tpu.memory_space<vmem_shared>> -> memref<1000000xf32, #tpu.memory_space<vmem_shared>>
    tpu.enqueue_indirect_dma source(%dma_start3A_352 : memref<1000000xf32, #tpu.memory_space<vmem_shared>>) target(%arg11 : memref<6400xf32, #tpu.memory_space<vmem>>) offsets(%arg7 : memref<6400xi32, #tpu.memory_space<vmem>>) semaphore(%arg16 : memref<!tpu.dma_semaphore, #tpu.memory_space<semaphore_mem>>)
    "tpu.region"() ({
      %run_scoped3A = tpu.sem_alloc : memref<!tpu.dma_semaphore, #tpu.memory_space<semaphore_mem>>
      %dma_start3A_451 = tpu.memref_slice %arg3[%multiple_of3A_350] : memref<1638400xf32, #tpu.memory_space<hbm>> -> memref<6400xf32, #tpu.memory_space<hbm>>
      %dma_start3A_452 = tpu.memref_slice %arg3[%multiple_of3A_350] : memref<1638400xf32, #tpu.memory_space<hbm>> -> memref<6400xf32, #tpu.memory_space<hbm>>
      tpu.enqueue_dma source(%dma_start3A_452 : memref<6400xf32, #tpu.memory_space<hbm>>) target(%arg9 : memref<6400xf32, #tpu.memory_space<vmem>>) target_semaphore(%run_scoped3A : memref<!tpu.dma_semaphore, #tpu.memory_space<semaphore_mem>>)
      %dma_wait3A_453 = tpu.memref_slice %arg3[%multiple_of3A_350] : memref<1638400xf32, #tpu.memory_space<hbm>> -> memref<6400xf32, #tpu.memory_space<hbm>>
      %dma_wait3A_454 = tpu.memref_slice %arg3[%multiple_of3A_350] : memref<1638400xf32, #tpu.memory_space<hbm>> -> memref<6400xf32, #tpu.memory_space<hbm>>
      tpu.wait_dma2 semaphore(%run_scoped3A : memref<!tpu.dma_semaphore, #tpu.memory_space<semaphore_mem>>) src(%dma_wait3A_454 : memref<6400xf32, #tpu.memory_space<hbm>>) dst(%arg9 : memref<6400xf32, #tpu.memory_space<vmem>>)
      tpu.yield
    }) : () -> ()
    %dma_wait3A_353 = arith.constant 0 : i32
    %dma_wait3A_354 = tpu.memref_slice %arg5[%dma_wait3A_353] : memref<16384xf32, #tpu.memory_space<hbm>> -> memref<6400xf32, #tpu.memory_space<hbm>>
    %dma_wait3A_355 = arith.constant 0 : i32
    %dma_wait3A_356 = tpu.memref_slice %arg5[%dma_wait3A_355] : memref<16384xf32, #tpu.memory_space<hbm>> -> memref<6400xf32, #tpu.memory_space<hbm>>
    tpu.wait_dma2 semaphore(%arg15 : memref<!tpu.dma_semaphore, #tpu.memory_space<semaphore_mem>>) src(%dma_wait3A_356 : memref<6400xf32, #tpu.memory_space<hbm>>) dst(%arg10 : memref<6400xf32, #tpu.memory_space<vmem>>)
    %mul3A_357 = arith.constant 100 : i32
    %mul3A_358 = vector.broadcast %mul3A_357 : i32 to vector<16xi32>
    %mul3A_359 = arith.muli %iota3A, %mul3A_358 : vector<16xi32>
    %add3A_360 = arith.constant 0 : i32
    %add3A_361 = vector.broadcast %add3A_360 : i32 to vector<16xi32>
    %add3A_362 = arith.addi %mul3A_359, %add3A_361 : vector<16xi32>
    %mul3A_363 = arith.constant 100 : i32
    %mul3A_364 = vector.broadcast %mul3A_363 : i32 to vector<16xi32>
    %mul3A_365 = arith.muli %iota3A, %mul3A_364 : vector<16xi32>
    %add3A_366 = arith.constant 1600 : i32
    %add3A_367 = vector.broadcast %add3A_366 : i32 to vector<16xi32>
    %add3A_368 = arith.addi %mul3A_365, %add3A_367 : vector<16xi32>
    %mul3A_369 = arith.constant 100 : i32
    %mul3A_370 = vector.broadcast %mul3A_369 : i32 to vector<16xi32>
    %mul3A_371 = arith.muli %iota3A, %mul3A_370 : vector<16xi32>
    %add3A_372 = arith.constant 3200 : i32
    %add3A_373 = vector.broadcast %add3A_372 : i32 to vector<16xi32>
    %add3A_374 = arith.addi %mul3A_371, %add3A_373 : vector<16xi32>
    %mul3A_375 = arith.constant 100 : i32
    %mul3A_376 = vector.broadcast %mul3A_375 : i32 to vector<16xi32>
    %mul3A_377 = arith.muli %iota3A, %mul3A_376 : vector<16xi32>
    %add3A_378 = arith.constant 4800 : i32
    %add3A_379 = vector.broadcast %add3A_378 : i32 to vector<16xi32>
    %add3A_380 = arith.addi %mul3A_377, %add3A_379 : vector<16xi32>
    %broadcast_in_dim3A_381 = arith.constant 0.000000e+00 : f32
    %broadcast_in_dim3A_382 = vector.broadcast %broadcast_in_dim3A_381 : f32 to vector<16xf32>
    %scan3A_383 = arith.constant 0 : i32
    %scan3A_384 = arith.constant 100 : i32
    %scan3A_385 = arith.addi %scan3A_383, %scan3A_384 : i32
    %scan3A_386 = arith.constant 1 : i32
    %scan3A_387:4 = scf.for %scan3A_451 = %scan3A_383 to %scan3A_385 step %scan3A_386 iter_args(%scan3A_452 = %broadcast_in_dim3A_382, %scan3A_453 = %broadcast_in_dim3A_382, %scan3A_454 = %broadcast_in_dim3A_382, %scan3A_455 = %broadcast_in_dim3A_382) -> (vector<16xf32>, vector<16xf32>, vector<16xf32>, vector<16xf32>)  : i32 {
      %add3A_456 = vector.broadcast %scan3A_451 : i32 to vector<16xi32>
      %add3A_457 = arith.addi %add3A_362, %add3A_456 : vector<16xi32>
      %gather3A = tpu.vector_load_idx %arg10[%add3A_457] : memref<6400xf32, #tpu.memory_space<vmem>>[vector<16xi32>], vector<16xf32>,
      %gather3A_458 = tpu.vector_load_idx %arg8[%add3A_457] : memref<6400xf32, #tpu.memory_space<vmem>>[vector<16xi32>], vector<16xf32>,
      %mul3A_459 = arith.mulf %gather3A, %gather3A_458 : vector<16xf32>
      %add3A_460 = arith.addf %scan3A_452, %mul3A_459 : vector<16xf32>
      %add3A_461 = vector.broadcast %scan3A_451 : i32 to vector<16xi32>
      %add3A_462 = arith.addi %add3A_368, %add3A_461 : vector<16xi32>
      %gather3A_463 = tpu.vector_load_idx %arg10[%add3A_462] : memref<6400xf32, #tpu.memory_space<vmem>>[vector<16xi32>], vector<16xf32>,
      %gather3A_464 = tpu.vector_load_idx %arg8[%add3A_462] : memref<6400xf32, #tpu.memory_space<vmem>>[vector<16xi32>], vector<16xf32>,
      %mul3A_465 = arith.mulf %gather3A_463, %gather3A_464 : vector<16xf32>
      %add3A_466 = arith.addf %scan3A_453, %mul3A_465 : vector<16xf32>
      %add3A_467 = vector.broadcast %scan3A_451 : i32 to vector<16xi32>
      %add3A_468 = arith.addi %add3A_374, %add3A_467 : vector<16xi32>
      %gather3A_469 = tpu.vector_load_idx %arg10[%add3A_468] : memref<6400xf32, #tpu.memory_space<vmem>>[vector<16xi32>], vector<16xf32>,
      %gather3A_470 = tpu.vector_load_idx %arg8[%add3A_468] : memref<6400xf32, #tpu.memory_space<vmem>>[vector<16xi32>], vector<16xf32>,
      %mul3A_471 = arith.mulf %gather3A_469, %gather3A_470 : vector<16xf32>
      %add3A_472 = arith.addf %scan3A_454, %mul3A_471 : vector<16xf32>
      %add3A_473 = vector.broadcast %scan3A_451 : i32 to vector<16xi32>
      %add3A_474 = arith.addi %add3A_380, %add3A_473 : vector<16xi32>
      %gather3A_475 = tpu.vector_load_idx %arg10[%add3A_474] : memref<6400xf32, #tpu.memory_space<vmem>>[vector<16xi32>], vector<16xf32>,
      %gather3A_476 = tpu.vector_load_idx %arg8[%add3A_474] : memref<6400xf32, #tpu.memory_space<vmem>>[vector<16xi32>], vector<16xf32>,
      %mul3A_477 = arith.mulf %gather3A_475, %gather3A_476 : vector<16xf32>
      %add3A_478 = arith.addf %scan3A_455, %mul3A_477 : vector<16xf32>
      scf.yield %add3A_460, %add3A_466, %add3A_472, %add3A_478 : vector<16xf32>, vector<16xf32>, vector<16xf32>, vector<16xf32>
    }
    %scan3A_388 = arith.constant 100 : i32
    %swap3A_389 = arith.constant 0 : index
    %swap3A_390 = tpu.vector_load %arg12[%swap3A_389] {strides = array<i32>} : memref<64xf32, #tpu.memory_space<vmem>>, vector<16xf32>,
    tpu.vector_store %arg12[%swap3A_389], %scan3A_387#0 {strides = array<i32>} : memref<64xf32, #tpu.memory_space<vmem>>, vector<16xf32>,
    %swap3A_391 = arith.constant 16 : index
    %swap3A_392 = tpu.vector_load %arg12[%swap3A_391] {strides = array<i32>} : memref<64xf32, #tpu.memory_space<vmem>>, vector<16xf32>,
    tpu.vector_store %arg12[%swap3A_391], %scan3A_387#1 {strides = array<i32>} : memref<64xf32, #tpu.memory_space<vmem>>, vector<16xf32>,
    %swap3A_393 = arith.constant 32 : index
    %swap3A_394 = tpu.vector_load %arg12[%swap3A_393] {strides = array<i32>} : memref<64xf32, #tpu.memory_space<vmem>>, vector<16xf32>,
    tpu.vector_store %arg12[%swap3A_393], %scan3A_387#2 {strides = array<i32>} : memref<64xf32, #tpu.memory_space<vmem>>, vector<16xf32>,
    %swap3A_395 = arith.constant 48 : index
    %swap3A_396 = tpu.vector_load %arg12[%swap3A_395] {strides = array<i32>} : memref<64xf32, #tpu.memory_space<vmem>>, vector<16xf32>,
    tpu.vector_store %arg12[%swap3A_395], %scan3A_387#3 {strides = array<i32>} : memref<64xf32, #tpu.memory_space<vmem>>, vector<16xf32>,
    %mul3A_397 = arith.constant 512 : i32
    %mul3A_398 = arith.muli %add3A, %mul3A_397 : i32
    %add3A_399 = arith.constant 384 : i32
    %add3A_400 = arith.addi %mul3A_398, %add3A_399 : i32
    %multiple_of3A_401 = tpu.assume_multiple %add3A_400, 64 : i32
    "tpu.region"() ({
      %run_scoped3A = tpu.sem_alloc : memref<!tpu.dma_semaphore, #tpu.memory_space<semaphore_mem>>
      %dma_start3A_451 = tpu.memref_slice %arg5[%multiple_of3A_401] : memref<16384xf32, #tpu.memory_space<hbm>> -> memref<64xf32, #tpu.memory_space<hbm>>
      %dma_start3A_452 = tpu.memref_slice %arg5[%multiple_of3A_401] : memref<16384xf32, #tpu.memory_space<hbm>> -> memref<64xf32, #tpu.memory_space<hbm>>
      tpu.enqueue_dma source(%arg12 : memref<64xf32, #tpu.memory_space<vmem>>) target(%dma_start3A_452 : memref<64xf32, #tpu.memory_space<hbm>>) target_semaphore(%run_scoped3A : memref<!tpu.dma_semaphore, #tpu.memory_space<semaphore_mem>>)
      %dma_wait3A_453 = tpu.memref_slice %arg5[%multiple_of3A_401] : memref<16384xf32, #tpu.memory_space<hbm>> -> memref<64xf32, #tpu.memory_space<hbm>>
      %dma_wait3A_454 = tpu.memref_slice %arg5[%multiple_of3A_401] : memref<16384xf32, #tpu.memory_space<hbm>> -> memref<64xf32, #tpu.memory_space<hbm>>
      tpu.wait_dma2 semaphore(%run_scoped3A : memref<!tpu.dma_semaphore, #tpu.memory_space<semaphore_mem>>) src(%arg12 : memref<64xf32, #tpu.memory_space<vmem>>) dst(%dma_wait3A_454 : memref<64xf32, #tpu.memory_space<hbm>>)
      tpu.yield
    }) : () -> ()
    %dma_wait3A_402 = arith.constant 0 : i32
    %dma_wait3A_403 = tpu.memref_slice %arg5[%dma_wait3A_402] : memref<16384xf32, #tpu.memory_space<hbm>> -> memref<6400xf32, #tpu.memory_space<hbm>>
    %dma_wait3A_404 = arith.constant 0 : i32
    %dma_wait3A_405 = tpu.memref_slice %arg5[%dma_wait3A_404] : memref<16384xf32, #tpu.memory_space<hbm>> -> memref<6400xf32, #tpu.memory_space<hbm>>
    tpu.wait_dma2 semaphore(%arg16 : memref<!tpu.dma_semaphore, #tpu.memory_space<semaphore_mem>>) src(%dma_wait3A_405 : memref<6400xf32, #tpu.memory_space<hbm>>) dst(%arg11 : memref<6400xf32, #tpu.memory_space<vmem>>)
    %mul3A_406 = arith.constant 100 : i32
    %mul3A_407 = vector.broadcast %mul3A_406 : i32 to vector<16xi32>
    %mul3A_408 = arith.muli %iota3A, %mul3A_407 : vector<16xi32>
    %add3A_409 = arith.constant 0 : i32
    %add3A_410 = vector.broadcast %add3A_409 : i32 to vector<16xi32>
    %add3A_411 = arith.addi %mul3A_408, %add3A_410 : vector<16xi32>
    %mul3A_412 = arith.constant 100 : i32
    %mul3A_413 = vector.broadcast %mul3A_412 : i32 to vector<16xi32>
    %mul3A_414 = arith.muli %iota3A, %mul3A_413 : vector<16xi32>
    %add3A_415 = arith.constant 1600 : i32
    %add3A_416 = vector.broadcast %add3A_415 : i32 to vector<16xi32>
    %add3A_417 = arith.addi %mul3A_414, %add3A_416 : vector<16xi32>
    %mul3A_418 = arith.constant 100 : i32
    %mul3A_419 = vector.broadcast %mul3A_418 : i32 to vector<16xi32>
    %mul3A_420 = arith.muli %iota3A, %mul3A_419 : vector<16xi32>
    %add3A_421 = arith.constant 3200 : i32
    %add3A_422 = vector.broadcast %add3A_421 : i32 to vector<16xi32>
    %add3A_423 = arith.addi %mul3A_420, %add3A_422 : vector<16xi32>
    %mul3A_424 = arith.constant 100 : i32
    %mul3A_425 = vector.broadcast %mul3A_424 : i32 to vector<16xi32>
    %mul3A_426 = arith.muli %iota3A, %mul3A_425 : vector<16xi32>
    %add3A_427 = arith.constant 4800 : i32
    %add3A_428 = vector.broadcast %add3A_427 : i32 to vector<16xi32>
    %add3A_429 = arith.addi %mul3A_426, %add3A_428 : vector<16xi32>
    %broadcast_in_dim3A_430 = arith.constant 0.000000e+00 : f32
    %broadcast_in_dim3A_431 = vector.broadcast %broadcast_in_dim3A_430 : f32 to vector<16xf32>
    %scan3A_432 = arith.constant 0 : i32
    %scan3A_433 = arith.constant 100 : i32
    %scan3A_434 = arith.addi %scan3A_432, %scan3A_433 : i32
    %scan3A_435 = arith.constant 1 : i32
    %scan3A_436:4 = scf.for %scan3A_451 = %scan3A_432 to %scan3A_434 step %scan3A_435 iter_args(%scan3A_452 = %broadcast_in_dim3A_431, %scan3A_453 = %broadcast_in_dim3A_431, %scan3A_454 = %broadcast_in_dim3A_431, %scan3A_455 = %broadcast_in_dim3A_431) -> (vector<16xf32>, vector<16xf32>, vector<16xf32>, vector<16xf32>)  : i32 {
      %add3A_456 = vector.broadcast %scan3A_451 : i32 to vector<16xi32>
      %add3A_457 = arith.addi %add3A_411, %add3A_456 : vector<16xi32>
      %gather3A = tpu.vector_load_idx %arg11[%add3A_457] : memref<6400xf32, #tpu.memory_space<vmem>>[vector<16xi32>], vector<16xf32>,
      %gather3A_458 = tpu.vector_load_idx %arg9[%add3A_457] : memref<6400xf32, #tpu.memory_space<vmem>>[vector<16xi32>], vector<16xf32>,
      %mul3A_459 = arith.mulf %gather3A, %gather3A_458 : vector<16xf32>
      %add3A_460 = arith.addf %scan3A_452, %mul3A_459 : vector<16xf32>
      %add3A_461 = vector.broadcast %scan3A_451 : i32 to vector<16xi32>
      %add3A_462 = arith.addi %add3A_417, %add3A_461 : vector<16xi32>
      %gather3A_463 = tpu.vector_load_idx %arg11[%add3A_462] : memref<6400xf32, #tpu.memory_space<vmem>>[vector<16xi32>], vector<16xf32>,
      %gather3A_464 = tpu.vector_load_idx %arg9[%add3A_462] : memref<6400xf32, #tpu.memory_space<vmem>>[vector<16xi32>], vector<16xf32>,
      %mul3A_465 = arith.mulf %gather3A_463, %gather3A_464 : vector<16xf32>
      %add3A_466 = arith.addf %scan3A_453, %mul3A_465 : vector<16xf32>
      %add3A_467 = vector.broadcast %scan3A_451 : i32 to vector<16xi32>
      %add3A_468 = arith.addi %add3A_423, %add3A_467 : vector<16xi32>
      %gather3A_469 = tpu.vector_load_idx %arg11[%add3A_468] : memref<6400xf32, #tpu.memory_space<vmem>>[vector<16xi32>], vector<16xf32>,
      %gather3A_470 = tpu.vector_load_idx %arg9[%add3A_468] : memref<6400xf32, #tpu.memory_space<vmem>>[vector<16xi32>], vector<16xf32>,
      %mul3A_471 = arith.mulf %gather3A_469, %gather3A_470 : vector<16xf32>
      %add3A_472 = arith.addf %scan3A_454, %mul3A_471 : vector<16xf32>
      %add3A_473 = vector.broadcast %scan3A_451 : i32 to vector<16xi32>
      %add3A_474 = arith.addi %add3A_429, %add3A_473 : vector<16xi32>
      %gather3A_475 = tpu.vector_load_idx %arg11[%add3A_474] : memref<6400xf32, #tpu.memory_space<vmem>>[vector<16xi32>], vector<16xf32>,
      %gather3A_476 = tpu.vector_load_idx %arg9[%add3A_474] : memref<6400xf32, #tpu.memory_space<vmem>>[vector<16xi32>], vector<16xf32>,
      %mul3A_477 = arith.mulf %gather3A_475, %gather3A_476 : vector<16xf32>
      %add3A_478 = arith.addf %scan3A_455, %mul3A_477 : vector<16xf32>
      scf.yield %add3A_460, %add3A_466, %add3A_472, %add3A_478 : vector<16xf32>, vector<16xf32>, vector<16xf32>, vector<16xf32>
    }
    %scan3A_437 = arith.constant 100 : i32
    %swap3A_438 = arith.constant 0 : index
    %swap3A_439 = tpu.vector_load %arg12[%swap3A_438] {strides = array<i32>} : memref<64xf32, #tpu.memory_space<vmem>>, vector<16xf32>,
    tpu.vector_store %arg12[%swap3A_438], %scan3A_436#0 {strides = array<i32>} : memref<64xf32, #tpu.memory_space<vmem>>, vector<16xf32>,
    %swap3A_440 = arith.constant 16 : index
    %swap3A_441 = tpu.vector_load %arg12[%swap3A_440] {strides = array<i32>} : memref<64xf32, #tpu.memory_space<vmem>>, vector<16xf32>,
    tpu.vector_store %arg12[%swap3A_440], %scan3A_436#1 {strides = array<i32>} : memref<64xf32, #tpu.memory_space<vmem>>, vector<16xf32>,
    %swap3A_442 = arith.constant 32 : index
    %swap3A_443 = tpu.vector_load %arg12[%swap3A_442] {strides = array<i32>} : memref<64xf32, #tpu.memory_space<vmem>>, vector<16xf32>,
    tpu.vector_store %arg12[%swap3A_442], %scan3A_436#2 {strides = array<i32>} : memref<64xf32, #tpu.memory_space<vmem>>, vector<16xf32>,
    %swap3A_444 = arith.constant 48 : index
    %swap3A_445 = tpu.vector_load %arg12[%swap3A_444] {strides = array<i32>} : memref<64xf32, #tpu.memory_space<vmem>>, vector<16xf32>,
    tpu.vector_store %arg12[%swap3A_444], %scan3A_436#3 {strides = array<i32>} : memref<64xf32, #tpu.memory_space<vmem>>, vector<16xf32>,
    %mul3A_446 = arith.constant 512 : i32
    %mul3A_447 = arith.muli %add3A, %mul3A_446 : i32
    %add3A_448 = arith.constant 448 : i32
    %add3A_449 = arith.addi %mul3A_447, %add3A_448 : i32
    %multiple_of3A_450 = tpu.assume_multiple %add3A_449, 64 : i32
    "tpu.region"() ({
      %run_scoped3A = tpu.sem_alloc : memref<!tpu.dma_semaphore, #tpu.memory_space<semaphore_mem>>
      %dma_start3A_451 = tpu.memref_slice %arg5[%multiple_of3A_450] : memref<16384xf32, #tpu.memory_space<hbm>> -> memref<64xf32, #tpu.memory_space<hbm>>
      %dma_start3A_452 = tpu.memref_slice %arg5[%multiple_of3A_450] : memref<16384xf32, #tpu.memory_space<hbm>> -> memref<64xf32, #tpu.memory_space<hbm>>
      tpu.enqueue_dma source(%arg12 : memref<64xf32, #tpu.memory_space<vmem>>) target(%dma_start3A_452 : memref<64xf32, #tpu.memory_space<hbm>>) target_semaphore(%run_scoped3A : memref<!tpu.dma_semaphore, #tpu.memory_space<semaphore_mem>>)
      %dma_wait3A_453 = tpu.memref_slice %arg5[%multiple_of3A_450] : memref<16384xf32, #tpu.memory_space<hbm>> -> memref<64xf32, #tpu.memory_space<hbm>>
      %dma_wait3A_454 = tpu.memref_slice %arg5[%multiple_of3A_450] : memref<16384xf32, #tpu.memory_space<hbm>> -> memref<64xf32, #tpu.memory_space<hbm>>
      tpu.wait_dma2 semaphore(%run_scoped3A : memref<!tpu.dma_semaphore, #tpu.memory_space<semaphore_mem>>) src(%arg12 : memref<64xf32, #tpu.memory_space<vmem>>) dst(%dma_wait3A_454 : memref<64xf32, #tpu.memory_space<hbm>>)
      tpu.yield
    }) : () -> ()
    return
  }
}

</mosaic_0001>

<sc_bundles>
// kernel: kernel.3.cloned.1.call-start
scs
__scs_entry_jumppad:
0x0: {  	(pc) =	sbr.rel $0x88, $3  }
0x1: {  	(tag) =	ssettag $0x0;
	lr =	simm.s32 $0x1  }
0x2: {  	[smem:$0x3F9D] =	sst lr;
	_ =	strace $0xD0000000  }
0x3: {  	_ = 	snop  }
0x4: {  	_ = 	snop  }
0x5: {  	_ = 	snop  }
0x6: {  	_ = 	snop  }
0x7: {  	_ = 	snop  }
__scs_overlays_trampoline_lowered:
0x8: {  	[smem:$0x3FAC] =	sst s0  }
0x9: {  	[smem:$0x3FAD] =	sst s1  }
0xa: {  	[smem:$0x3FAE] =	sst s2  }
0xb: {  	[smem:$0x3FAF] =	sst s3  }
0xc: {  	[smem:$0x3FB0] =	sst s4  }
0xd: {  	[smem:$0x3FB1] =	sst s5  }
0xe: {  	[smem:$0x3FB2] =	sst s6  }
0xf: {  	[smem:$0x3FB3] =	sst s7  }
0x10: {  	[smem:$0x3FB4] =	sst s8  }
0x11: {  	[smem:$0x3FB5] =	sst s9;
	s0 =	simm.s32 @!p0 $0x0  }
0x12: {  	s1 =	sld [smem:$0x3F9B];
	s0 =	simm.s32 @p0 $0x1  }
0x13: {  	[smem:$0x3FB6] =	sst s0;
	s0 =	simm.s32 @!p1 $0x0  }
0x14: {  	s2 =	sld [smem:$0x3F9A];
	s0 =	simm.s32 @p1 $0x1  }
0x15: {  	[smem:$0x3FB7] =	sst s0;
	s0 =	simm.s32 @!p2 $0x0  }
0x16: {  	s3 =	sld [smem:$0x3FDB];
	s0 =	simm.s32 @p2 $0x1  }
0x17: {  	s4 =	simm.s32 $0x1BF5;
	[smem:$0x3FB9] =	sst s0  }
0x18: {  	s0 =	sld [smem:$0x3F9C];
	_ =	swait.ge [sflag:s4], $0x0  }
0x19: {  	s7 =	sld [smem:$0x3F9D]  }
0x1a: {  	s8 =	sadd.s32 $0xFFFFE003, lr  }
0x1b: {  	s9 =	sadd.s32 $0xFFFFFEF7, lr;
	s5 =	simm.s32 $0xFFFFFFFF;
	p2 =	slt.u32 s8, $0xFFFFF086  }
0x1c: {  	p1 =	slt.u32 s9, $0xF7A;
	s5 =	simm.s32 @!p2 $0x0  }
0x1d: {  	s5 =	simm.s32 @p1 $0x1;
	p0 =	seq.s32 s7, s2  }
0x1e: {  	s7 =	smul.u32 @!p0 $0xF7A, s2;
	p2 =	seq.s32 @!p0 s5, $0x0  }
0x1f: {  	s9 =	smul.u32 $0xF7A, s1;
	s8 =	simm.s32 @!p0 $0x1BF5;
	p2 =	por !p2, p0  }
0x20: {  	[sflag:s8] =	ssyncset.s32 @!p0 $0xFFFFF086;
	s6 =	sadd.s32 @!p0 s3, s7;
	s7 =	simm.s32 @!p0 $0x108  }
0x21: {  	s3 =	sadd.s32 s3, s9;
	s6 =	sadd.s32 @!p0 $0x88, s6;
	s7 =	simm.s32 @p2 $0x1082  }
0x22: {  	[simem:s7], [sflag:s8] =	dma.local @!p0 [hbm:s6], $0xF7A  }
0x23: {  	s9 =	sor.u32 $0xD0000000, s2;
	s6 =	simm.s32 $0x108;
	_ =	swait.ge @!p0 [sflag:s8], $0x0  }
0x24: {  	s3 =	sadd.s32 $0x88, s3;
	s6 =	simm.s32 @!p1 $0x1082;
	[sflag:s4] =	ssyncset.s32 $0xFFFFF086  }
0x25: {  	[simem:s6], [sflag:s4] =	dma.local [hbm:s3], $0xF7A  }
0x26: {  	[smem:$0x3F9D] =	sst s1;
	(tag) =	ssettag s2;
	_ =	strace s9  }
0x27: {  	s1 =	sld [smem:$0x3FAD]  }
0x28: {  	s2 =	sld [smem:$0x3FAE]  }
0x29: {  	s4 =	sld [smem:$0x3FB0]  }
0x2a: {  	p0 =	seq.s32 s5, $0x0;
	s5 =	sld [smem:$0x3FB1]  }
0x2b: {  	s6 =	sld [smem:$0x3FB2]  }
0x2c: {  	s7 =	sld [smem:$0x3FB3]  }
0x2d: {  	s3 =	simm.s32 $0x108;
	s8 =	sld [smem:$0x3FB4]  }
0x2e: {  	s3 =	simm.s32 @!p0 $0x1082;
	s9 =	sld [smem:$0x3FB5]  }
0x2f: {  	lr =	sadd.s32 s0, s3;
	s0 =	sld [smem:$0x3FAC]  }
0x30: {  	s3 =	sld [smem:$0x3FAF]  }
0x31: {  	[smem:$0x3FB8] =	sst s10  }
0x32: {  	s10 =	sld [smem:$0x3FB6];
	_ =	sdelay $0x3  }
0x33: {  	p0 =	seq.s32 s10, $0x1;
	s10 =	sld [smem:$0x3FB8];
	_ =	sdelay $0x3  }
0x34: {  	[smem:$0x3FB8] =	sst s10  }
0x35: {  	s10 =	sld [smem:$0x3FB7];
	_ =	sdelay $0x3  }
0x36: {  	p1 =	seq.s32 s10, $0x1;
	s10 =	sld [smem:$0x3FB8];
	_ =	sdelay $0x3  }
0x37: {  	[smem:$0x3FB8] =	sst s10  }
0x38: {  	s10 =	sld [smem:$0x3FB9]  }
0x39: {  	_ = 	snop;
	(pc) =	sbr.ind lr, $3  }
0x3a: {  	_ = 	snop  }
0x3b: {  	_ = 	snop  }
0x3c: {  	p2 =	seq.s32 s10, $0x1;
	s10 =	sld [smem:$0x3FB8]  }
0x3d: {  	_ =	shalt  }
0x3e: {  	_ =	shalt  }
0x3f: {  	_ =	shalt  }
0x40: {  	_ =	shalt  }
0x41: {  	_ =	shalt  }
0x42: {  	_ =	shalt  }
0x43: {  	_ =	shalt  }
0x44: {  	_ =	shalt  }
0x45: {  	_ =	shalt  }
0x46: {  	_ =	shalt  }
0x47: {  	_ =	shalt  }
0x48: {  	_ =	shalt  }
0x49: {  	_ =	shalt  }
0x4a: {  	_ =	shalt  }
0x4b: {  	_ =	shalt  }
0x4c: {  	_ =	shalt  }
0x4d: {  	_ =	shalt  }
0x4e: {  	_ =	shalt  }
0x4f: {  	_ =	shalt  }
0x50: {  	_ =	shalt  }
0x51: {  	_ =	shalt  }
0x52: {  	_ =	shalt  }
0x53: {  	_ =	shalt  }
0x54: {  	_ =	shalt  }
0x55: {  	_ =	shalt  }
0x56: {  	_ =	shalt  }
0x57: {  	_ =	shalt  }
0x58: {  	_ =	shalt  }
0x59: {  	_ =	shalt  }
0x5a: {  	_ =	shalt  }
0x5b: {  	_ =	shalt  }
0x5c: {  	_ =	shalt  }
0x5d: {  	_ =	shalt  }
0x5e: {  	_ =	shalt  }
0x5f: {  	_ =	shalt  }
0x60: {  	_ =	shalt  }
0x61: {  	_ =	shalt  }
0x62: {  	_ =	shalt  }
0x63: {  	_ =	shalt  }
0x64: {  	_ =	shalt  }
0x65: {  	_ =	shalt  }
0x66: {  	_ =	shalt  }
0x67: {  	_ =	shalt  }
0x68: {  	_ =	shalt  }
0x69: {  	_ =	shalt  }
0x6a: {  	_ =	shalt  }
0x6b: {  	_ =	shalt  }
0x6c: {  	_ =	shalt  }
0x6d: {  	_ =	shalt  }
0x6e: {  	_ =	shalt  }
0x6f: {  	_ =	shalt  }
0x70: {  	_ =	shalt  }
0x71: {  	_ =	shalt  }
0x72: {  	_ =	shalt  }
0x73: {  	_ =	shalt  }
0x74: {  	_ =	shalt  }
0x75: {  	_ =	shalt  }
0x76: {  	_ =	shalt  }
0x77: {  	_ =	shalt  }
0x78: {  	_ =	shalt  }
0x79: {  	_ =	shalt  }
0x7a: {  	_ =	shalt  }
0x7b: {  	_ =	shalt  }
0x7c: {  	_ =	shalt  }
0x7d: {  	_ =	shalt  }
0x7e: {  	_ =	shalt  }
0x7f: {  	_ =	shalt  }
0x80: {  	_ =	shalt  }
0x81: {  	_ =	shalt  }
0x82: {  	_ =	shalt  }
0x83: {  	_ =	shalt  }
0x84: {  	_ =	shalt  }
0x85: {  	_ =	shalt  }
0x86: {  	_ =	shalt  }
0x87: {  	_ =	shalt  }
.Lfunc_end0:
.L_simem_size_0:
called_computation_lowered:
.L_overlay_start_0:
0x88: {  	s2 =	sld [smem:$0x3FD9]  }
0x89: {  	s3 =	sld [smem:$0x3FFE];
	_ =	sdelay $0x1  }
0x8a: {  	s1 =	srdreg.scid  }
0x8b: {  	s0 =	sand.u32 $0x1, s1  }
0x8c: {  	s17 =	sshll.u32 s0, $0xA;
	s2 =	sadd.s32 s3, s2  }
0x8d: {  	s2 =	sadd.s32 s2, s17  }
0x8e: {  	[smem:$0x3FC4] =	sst s2  }
0x8f: {  	_ = 	snop  }
0x90: {  	s2 =	sld [smem:$0x3FD0];
	(tm) =	ssettm $0x1  }
0x91: {  	s18 =	sld [smem:$0x3FFB];
	_ =	sdelay $0x3  }
0x92: {  	_ =	strace s18  }
0x93: {  	s3 =	sld [smem:$0x3FFC];
	_ =	sdelay $0x3  }
0x94: {  	_ =	strace s3  }
0x95: {  	s3 =	sld [smem:$0x3FFD];
	_ =	sdelay $0x3  }
0x96: {  	_ =	strace s3  }
0x97: {  	_ =	strace $0x8FFFFFFF  }
0x98: {  	s19 =	sld [smem:$0x3FDB];
	_ =	sdelay $0x1  }
0x99: {  	s4 =	simm.s32 $_scs_section_size  }
0x9a: {  	s5 =	simm.s32 $_size__tile_overlayer_lowered;
	s6 =	simm.s32 $_tile_overlayer_lowered  }
0x9b: {  	s22 =	simm.s32 $0x1BFF;
	s21 =	sshll.u32 s6, $0x1;
	s3 =	sadd.s32 s4, s19  }
0x9c: {  	s7 =	simm.s32 $0x0;
	s20 =	sshll.u32 s5, $0x1;
	s5 =	sadd.s32 s21, s3  }
0x9d: {  	[timem:s7], [sflag:s22] =	dma.local [hbm:s5], s20  }
0x9e: {  	_ =	swait.ge [sflag:s22], s20  }
0x9f: {  	s4 =	ssub.s32 $0x0, s20;
	[sflag:s22] =	ssyncset.done $0x0  }
0xa0: {  	[sflag:s22] =	ssyncadd.s32 s4;
	_ =	sdelay $0x1  }
0xa1: {  	s23 =	simm.s32 $0x1B8B  }
0xa2: {  	_ =	swait.ge [sflag:s23], $0x1  }
0xa3: {  	[sflag:s23] =	ssyncset.done $0x0  }
0xa4: {  	s25 =	simm.s32 $0x1B8E;
	s24 =	sld [smem:$0x3FFE];
	[sflag:s23] =	ssyncadd.s32 $0xFFFFFFFF  }
0xa5: {  	s26 =	simm.s32 $execute0_lowered;
	[smem:$0x3FD2] =	sst s25  }
0xa6: {  	s5 =	sshll.u32 s26, $0x1;
	_ =	strace $0x80000046;
	[dreg:$0x1] =	wrdreg $0xFFFFFFFF  }
0xa7: {  	s28 =	simm.s32 $_size_execute0_lowered;
	s3 =	sadd.s32 s3, s5;
	[dreg:$0x0] =	wrdreg $0x0  }
0xa8: {  	s5 =	sshll.u32 s28, $0x1;
	[dreg:$0x2] =	wrdreg s3  }
0xa9: {  	[dreg:$0x3] =	wrdreg s5  }
0xaa: {  	[dreg:$0x4] =	wrdreg $0xC0  }
0xab: {  	_ =	task [dreg:s7], $0x5FFFF  }
0xac: {  	[dreg:$0x1] =	wrdreg $0xFFFFFFFF  }
0xad: {  	[dreg:$0x0] =	wrdreg $0x60  }
0xae: {  	[dreg:$0x2] =	wrdreg s24  }
0xaf: {  	[dreg:$0x3] =	wrdreg s2  }
0xb0: {  	[dreg:$0x4] =	wrdreg $0xD6400  }
0xb1: {  	[dreg:$0x5] =	wrdreg $0x9  }
0xb2: {  	_ =	task.clear_ibuf [dreg:s7], $0x6FFFF;
	_ =	strace $0x90000046  }
0xb3: {  	s29 =	simm.s32 $0x9;
	_ =	strace $0x80000048  }
0xb4: {  	_ =	swait.ge [sflag:s29], $0x1  }
0xb5: {  	[sflag:s29] =	ssyncadd.s32 $0xFFFFFFFF  }
0xb6: {  	_ =	strace $0x90000048  }
0xb7: {  	_ =	sfence  }
0xb8: {  	s30 =	sld [smem:$0x0];
	_ =	sdelay $0x2  }
0xb9: {  	s31 =	sshll.u32 s1, $0xD;
	s1 =	sshrl.u32 s1, $0x2  }
0xba: {  	s3 =	sand.u32 $0x4000, s31;
	s1 =	sadd.s32 s1, s30  }
0xbb: {  	s0 =	sor.u32 s3, s0;
	s1 =	sshll.u32 s1, $0x11  }
0xbc: {  	s0 =	sor.u32 s1, s0  }
0xbd: {  	s0 =	sadd.s32 $0x8F2B, s0  }
0xbe: {  	[sflag:s0] =	ssyncadd.remote.s32 $0x1  }
0xbf: {  	_ =	sfence.sel $0xFFFF  }
0xc0: {  	[dreg:$0x0] =	wrdreg $0xFFFFFFFF;
	(pc) =	sbr.abs _section_cstart, $3  }
0xc1: {  	[dreg:$0x1] =	wrdreg $0xFFFFFFFF  }
0xc2: {  	_ =	task.clear_ibuf [dreg:s7], $0x2FFFF;
	_ =	strace $0x9FFFFFFF  }
0xc3: {  	(tm) =	ssettm $0x7FFFFFFF  }
tec
execute0_lowered:
.L_overlay_start_1:
0x0: {  	(tag) =	ssettag $0x1  }
0x1: {  	s0 =	rddreg [dreg:$0x0];
	s1 =	srdreg.scid  }
0x2: {  	s11 =	stileid.u32;
	s3 =	rddreg [dreg:$0x1];
	s2 =	simm.s32 $0x0  }
0x3: {  	s4 =	sand.u32 $0x1, s1;
	s5 =	sshll.u32 s11, $0x1;
	s1 =	rddreg [dreg:$0x2]  }
0x4: {  	[smem:$0x7FF] =	sst s2;
	s5 =	sor.u32 s4, s5  }
0x5: {  	s8 =	sadd.s32 $0x32400, s0;
	s9 =	sadd.s32 $0x400, s0;
	s6 =	smul.u32 $0xC800, s5  }
0x6: {  	s10 =	sadd.s32 $0x64400, s0;
	s13 =	sshll.u32 s11, $0xB;
	s4 =	ssub.s32 $0x2, s4  }
0x7: {  	s0 =	sadd.s32 $0x82C00, s0;
	s7 =	sshrl.u32 s4, $0x1;
	s6 =	sshrl.u32 s6, $0x3  }
0x8: {  	s5 =	sshll.u32 s5, $0x6;
	s4 =	ssub.s32 s4, s7;
	s14 =	sadd.s32 s8, s6  }
0x9: {  	s15 =	sadd.s32 $0x320, s6;
	s12 =	sadd.s32 s9, s6;
	[dreg:$0x4] =	wrdreg s14  }
0xa: {  	s17 =	sadd.s32 $0x640, s6;
	[dreg:$0x5] =	wrdreg s12;
	s16 =	sadd.s32 s8, s15  }
0xb: {  	s19 =	sadd.s32 $0x960, s6;
	s7 =	sadd.s32 s9, s15;
	[dreg:$0x6] =	wrdreg s16  }
0xc: {  	s21 =	sadd.s32 $0xC80, s6;
	s18 =	sadd.s32 s8, s17;
	[dreg:$0x7] =	wrdreg s7  }
0xd: {  	s23 =	sadd.s32 $0xFA0, s6;
	s20 =	sadd.s32 s8, s19;
	[dreg:$0x8] =	wrdreg s18  }
0xe: {  	s25 =	sadd.s32 $0x12C0, s6;
	s22 =	sadd.s32 s8, s21;
	[dreg:$0xa] =	wrdreg s20  }
0xf: {  	s6 =	sadd.s32 $0x15E0, s6;
	s24 =	sadd.s32 s8, s23;
	[dreg:$0xc] =	wrdreg s22  }
0x10: {  	s26 =	sadd.s32 s8, s25;
	s12 =	sadd.s32 s8, s6;
	[dreg:$0xe] =	wrdreg s24  }
0x11: {  	s14 =	sor.u32 $0x10, s11;
	s15 =	sadd.s32 s10, s13;
	[dreg:$0x10] =	wrdreg s26  }
0x12: {  	s13 =	simm.s32 $0x1900;
	s7 =	sadd.s32 s3, s5;
	[dreg:$0x12] =	wrdreg s12  }
0x13: {  	s3 =	sadd.s32 s9, s17;
	[dreg:$0x14] =	wrdreg s15;
	s16 =	sshll.u32 s14, $0xB  }
0x14: {  	s17 =	sor.u32 $0x20, s11;
	s18 =	sor.u32 $0x30, s11;
	s22 =	sshll.u32 s14, $0xE  }
0x15: {  	s26 =	smax.u32 s4, $0x1;
	s12 =	simm.s32 $0x3;
	s14 =	simm.s32 $0x6400  }
0x16: {  	s15 =	simm.s32 $0x3200;
	[dreg:$0x9] =	wrdreg s3;
	s3 =	sadd.s32 s9, s19  }
0x17: {  	s19 =	sshll.u32 s17, $0xB;
	s20 =	sshll.u32 s18, $0xB;
	s29 =	sadd.s32 s22, s1  }
0x18: {  	s24 =	sshll.u32 s17, $0xE;
	p0 =	sgt.u32 s18, $0x3C;
	s4 =	sadd.s32 $0x18, s7  }
0x19: {  	s5 =	sadd.s32 $0x20, s7;
	s17 =	simm.s32 $0x4B00;
	s22 =	simm.s32 $0x0  }
0x1a: {  	[dreg:$0xb] =	wrdreg s3;
	s3 =	sadd.s32 s9, s21;
	s8 =	sadd.s32 s10, s19  }
0x1b: {  	s21 =	sadd.s32 s10, s20;
	s30 =	sadd.s32 s24, s1;
	[dreg:$0xd] =	wrdreg s3  }
0x1c: {  	p1 =	sne.s32 @!p0 s11, $0x0;
	s19 =	sadd.s32 $0xF4000, s1;
	[dreg:$0x16] =	wrdreg s8  }
0x1d: {  	s20 =	simm.s32 $0x9600;
	s3 =	sadd.s32 s9, s23;
	[dreg:$0x17] =	wrdreg s21  }
0x1e: {  	s23 =	sshll.u32 s11, $0xE;
	p1 =	por p1, p0;
	s8 =	sadd.s32 $0x30, s7  }
0x1f: {  	s11 =	simm.s32 $0x4;
	s21 =	simm.s32 $0x2;
	[dreg:$0xf] =	wrdreg s3  }
0x20: {  	s3 =	sadd.s32 s9, s25;
	s28 =	sadd.s32 s23, s1;
	s25 =	sshll.u32 s18, $0xE  }
0x21: {  	s18 =	simm.s32 $0x1;
	[dreg:$0x11] =	wrdreg s3;
	s3 =	sadd.s32 s9, s6  }
0x22: {  	v0 =	vlaneseq.u32;
	s31 =	sadd.s32 s25, s1;
	s6 =	sadd.s32 $0x28, s7;
	s9 =	sadd.s32 $0x38, s7  }
0x23: {  	v0 =	vmul.u32 $0x64, v0;
	[dreg:$0x13] =	wrdreg s3;
	s3 =	sadd.s32 s10, s16;
	s10 =	simm.s32 $0x9640  }
0x24: {  	s16 =	simm.s32 $0x7D00;
	[dreg:$0x15] =	wrdreg s3;
	s3 =	sadd.s32 $0x10, s7  }
0x25: {  	v1 =	vadd.s32 $0x640, v0;
	v2 =	vadd.s32 $0xC80, v0;
	v3 =	vadd.s32 $0x12C0, v0;
	_ =	strace $0x80000047;
	[dreg:$0x18] =	wrdreg s0;
	s0 =	sadd.s32 $0x8, s7  }
.LBB2_1:
0x26: {  	s23 =	rddreg [dreg:$0x14]  }
0x27: {  	[tilespmem:s10], [sflag:$0x4] =	stream.linear.gather [hbm4b:s23+s2], $0x4000, $0x38;
	[tilespmem:$0x1CA68] =	vst v63  }
0x28: {  	_ =	swait.ge [sflag:s11], $0x4000  }
0x29: {  	[sflag:s11] =	ssyncset.done $0x0  }
0x2a: {  	[sflag:s11] =	ssyncadd.s32 $0xFFFFC000  }
0x2b: {  	[spmem:s28] =	stream.linear.scatter [tilespmem:s10], [sflag:$0x3], $0x4000, $0x38;
	[tilespmem:$0x1CA68] =	vst v63  }
0x2c: {  	_ =	swait.ge [sflag:s12], $0x4000  }
0x2d: {  	[sflag:s12] =	ssyncset.done $0x0  }
0x2e: {  	s25 =	rddreg [dreg:$0x15];
	[sflag:s12] =	ssyncadd.s32 $0xFFFFC000  }
0x2f: {  	[tilespmem:s10], [sflag:$0x4] =	stream.linear.gather [hbm4b:s25+s2], $0x4000, $0x38;
	[tilespmem:$0x1CA68] =	vst v63  }
0x30: {  	_ =	swait.ge [sflag:s11], $0x4000  }
0x31: {  	[sflag:s11] =	ssyncset.done $0x0  }
0x32: {  	[sflag:s11] =	ssyncadd.s32 $0xFFFFC000  }
0x33: {  	[spmem:s29] =	stream.linear.scatter [tilespmem:s10], [sflag:$0x3], $0x4000, $0x38;
	[tilespmem:$0x1CA68] =	vst v63  }
0x34: {  	_ =	swait.ge [sflag:s12], $0x4000  }
0x35: {  	[sflag:s12] =	ssyncset.done $0x0  }
0x36: {  	s24 =	rddreg [dreg:$0x16];
	[sflag:s12] =	ssyncadd.s32 $0xFFFFC000  }
0x37: {  	[tilespmem:s10], [sflag:$0x4] =	stream.linear.gather [hbm4b:s24+s2], $0x4000, $0x38;
	[tilespmem:$0x1CA68] =	vst v63  }
0x38: {  	_ =	swait.ge [sflag:s11], $0x4000  }
0x39: {  	[sflag:s11] =	ssyncset.done $0x0  }
0x3a: {  	[sflag:s11] =	ssyncadd.s32 $0xFFFFC000  }
0x3b: {  	[spmem:s30] =	stream.linear.scatter [tilespmem:s10], [sflag:$0x3], $0x4000, $0x38;
	[tilespmem:$0x1CA68] =	vst v63  }
0x3c: {  	_ =	swait.ge [sflag:s12], $0x4000  }
0x3d: {  	s23 =	simm.s32 @!p0 $0x0;
	[sflag:s12] =	ssyncset.done $0x0  }
0x3e: {  	s24 =	simm.s32 @!p0 $0x9640;
	s25 =	rddreg [dreg:$0x17];
	[sflag:s12] =	ssyncadd.s32 $0xFFFFC000  }
0x3f: {  	[tilespmem:s24], [sflag:$0x4] =	stream.linear.gather @!p0 [hbm4b:s25+s23], $0x4000, $0x38;
	[tilespmem:$0x1CA68] =	vst v63  }
0x40: {  	s23 =	simm.s32 @!p0 $0x4  }
0x41: {  	_ =	swait.ge @!p0 [sflag:s23], $0x4000  }
0x42: {  	[sflag:s23] =	ssyncset.done @!p0 $0x0  }
0x43: {  	[sflag:s23] =	ssyncadd.s32 @!p0 $0xFFFFC000;
	s23 =	simm.s32 @!p0 $0x3  }
0x44: {  	[spmem:s31] =	stream.linear.scatter @!p0 [tilespmem:s24], [sflag:$0x3], $0x4000, $0x38;
	[tilespmem:$0x1CA68] =	vst v63  }
0x45: {  	_ =	swait.ge @!p0 [sflag:s23], $0x4000  }
0x46: {  	s24 =	simm.s32 @!p1 $0x9640;
	[sflag:s23] =	ssyncset.done @!p0 $0x0  }
0x47: {  	s25 =	rddreg [dreg:$0x18];
	[sflag:s23] =	ssyncadd.s32 @!p0 $0xFFFFC000;
	s23 =	simm.s32 @!p1 $0x0  }
0x48: {  	[tilespmem:s24], [sflag:$0x3] =	stream.linear.gather @!p1 [hbm4b:s25+s23], $0x240, $0x38;
	[tilespmem:$0x1CA68] =	vst v63  }
0x49: {  	s23 =	simm.s32 @!p1 $0x3  }
0x4a: {  	_ =	swait.ge @!p1 [sflag:s23], $0x240  }
0x4b: {  	[sflag:s23] =	ssyncset.done @!p1 $0x0  }
0x4c: {  	[sflag:s23] =	ssyncadd.s32 @!p1 $0xFFFFFDC0  }
0x4d: {  	[spmem:s19] =	stream.linear.scatter @!p1 [tilespmem:s24], [sflag:$0x3], $0x240, $0x38;
	[tilespmem:$0x1CA68] =	vst v63  }
0x4e: {  	_ =	swait.ge @!p1 [sflag:s23], $0x240  }
0x4f: {  	[sflag:s23] =	ssyncset.done @!p1 $0x0  }
0x50: {  	[sflag:s23] =	ssyncadd.s32 @!p1 $0xFFFFFDC0  }
0x51: {  	[bflag:$0x0] =	sbarrier.arrive $0xFFFF  }
0x52: {  	s25 =	rddreg [dreg:$0x4]  }
0x53: {  	[tilespmem:s2], [sflag:$0x3] =	stream.linear.gather [hbm4b:s25+s2], $0x1900, $0x38;
	[tilespmem:$0x1CA68] =	vst v63  }
0x54: {  	_ =	swait.ge [sflag:s12], $0x1900  }
0x55: {  	[sflag:s12] =	ssyncset.done $0x0  }
0x56: {  	[sflag:s12] =	ssyncadd.s32 $0xFFFFE700  }
0x57: {  	[tilespmem:s14], [sflag:$0x1] =	stream.indirect.gather [spmem:s1], $0x1, s2, s13, $0xb8;
	[tilespmem:$0x1CA68] =	vst v63  }
0x58: {  	s24 =	rddreg [dreg:$0x5]  }
0x59: {  	[tilespmem:s15], [sflag:$0x3] =	stream.linear.gather [hbm4b:s24+s2], $0x1900, $0x38;
	[tilespmem:$0x1CA68] =	vst v63  }
0x5a: {  	_ =	swait.ge [sflag:s12], $0x1900  }
0x5b: {  	[sflag:s12] =	ssyncset.done $0x0  }
0x5c: {  	s25 =	rddreg [dreg:$0x6];
	[sflag:s12] =	ssyncadd.s32 $0xFFFFE700  }
0x5d: {  	[tilespmem:s13], [sflag:$0x3] =	stream.linear.gather [hbm4b:s25+s2], $0x1900, $0x38;
	[tilespmem:$0x1CA68] =	vst v63  }
0x5e: {  	_ =	swait.ge [sflag:s12], $0x1900  }
0x5f: {  	[sflag:s12] =	ssyncset.done $0x0  }
0x60: {  	[sflag:s12] =	ssyncadd.s32 $0xFFFFE700  }
0x61: {  	[tilespmem:s16], [sflag:$0x2] =	stream.indirect.gather [spmem:s1], $0x1, s13, s13, $0xb8;
	[tilespmem:$0x1CA68] =	vst v63  }
0x62: {  	s24 =	rddreg [dreg:$0x7]  }
0x63: {  	[tilespmem:s17], [sflag:$0x3] =	stream.linear.gather [hbm4b:s24+s2], $0x1900, $0x38;
	[tilespmem:$0x1CA68] =	vst v63  }
0x64: {  	_ =	swait.ge [sflag:s12], $0x1900  }
0x65: {  	v5 =	vadd.s32 s2, v3;
	[sflag:s12] =	ssyncset.done $0x0  }
0x66: {  	[sflag:s12] =	ssyncadd.s32 $0xFFFFE700  }
0x67: {  	v6 =	vadd.s32 s2, v2;
	_ =	swait.ge [sflag:s18], $0x1900  }
0x68: {  	[sflag:s18] =	ssyncset.done $0x0  }
0x69: {  	v7 =	vadd.s32 s2, v1;
	[sflag:s18] =	ssyncadd.s32 $0xFFFFE700  }
0x6a: {  	v4 =	vld.idx.msk [tilespmem:v5+s14+$0x0], $0xffff  }
0x6b: {  	v9 =	vadd.s32 s2, v0;
	v10 =	vld.idx.msk [tilespmem:v5+s15+$0x0], $0xffff  }
0x6c: {  	s25 =	simm.s32 $0x1;
	v16 =	vld.idx.msk [tilespmem:v6+s14+$0x0], $0xffff  }
0x6d: {  	v12 =	vadd.s32 s25, v3;
	v20 =	vld.idx.msk [tilespmem:v6+s15+$0x0], $0xffff  }
0x6e: {  	v21 =	vld.idx.msk [tilespmem:v7+s14+$0x0], $0xffff  }
0x6f: {  	v13 =	vadd.s32 s25, v2;
	v8 =	vld.idx.msk [tilespmem:v7+s15+$0x0], $0xffff  }
0x70: {  	v11 =	vld.idx.msk [tilespmem:v9+s14+$0x0], $0xffff  }
0x71: {  	v18 =	vadd.s32 s25, v1;
	v17 =	vld.idx.msk [tilespmem:v9+s15+$0x0], $0xffff  }
0x72: {  	v7 =	vld.idx.msk [tilespmem:v12+s14+$0x0], $0xffff  }
0x73: {  	v15 =	vimm.f32 $0.0e+00;
	v19 =	vadd.s32 s25, v0;
	v9 =	vld.idx.msk [tilespmem:v12+s15+$0x0], $0xffff  }
0x74: {  	v14 =	vimm.f32 $0.0e+00;
	s23 =	simm.s32 $0x2;
	v5 =	vimm.f32 $0.0e+00;
	v12 =	vld.idx.msk [tilespmem:v13+s14+$0x0], $0xffff;
	v6 =	vimm.f32 $0.0e+00  }
.LBB2_2:
0x75: {  	v22 =	vadd.s32 s23, v3;
	p2 =	sne.s32 s23, $0x63;
	v23 =	vld.idx.msk [tilespmem:v13+s15+$0x0], $0xffff  }
0x76: {  	v16 =	vmul.f32 v20, v16;
	v25 =	vmul.f32 v10, v4;
	v24 =	vld.idx.msk [tilespmem:v18+s14+$0x0], $0xffff  }
0x77: {  	v13 =	vadd.s32 s23, v2;
	v20 =	vmul.f32 v8, v21;
	v26 =	vmul.f32 v17, v11;
	v8 =	vld.idx.msk [tilespmem:v18+s15+$0x0], $0xffff  }
.Ltmp0:
0x78: {  	v5 =	vadd.f32 v16, v5;
	v6 =	vadd.f32 v25, v6;
	v4 =	vmov v7;
	v11 =	vld.idx.msk [tilespmem:v19+s14+$0x0], $0xffff;
	(pc) =	sbr.rel @p2 .LBB2_2-.Ltmp0, $4  }
0x79: {  	v18 =	vadd.s32 s23, v1;
	v14 =	vadd.f32 v20, v14;
	v15 =	vadd.f32 v26, v15;
	v10 =	vmovc v9;
	v17 =	vld.idx.msk [tilespmem:v19+s15+$0x0], $0xffff  }
0x7a: {  	v16 =	vmov v12;
	v7 =	vld.idx.msk [tilespmem:v22+s14+$0x0], $0xffff  }
0x7b: {  	v19 =	vadd.s32 s23, v0;
	v20 =	vmov v23;
	v9 =	vld.idx.msk [tilespmem:v22+s15+$0x0], $0xffff  }
0x7c: {  	s23 =	sadd.s32 $0x1, s23;
	v21 =	vmov v24;
	v12 =	vld.idx.msk [tilespmem:v13+s14+$0x0], $0xffff  }
0x7d: {  	_ =	sdelay $0x3  }
0x7e: {  	v22 =	vld.idx.msk [tilespmem:v18+s14+$0x0], $0xffff  }
0x7f: {  	v23 =	vld.idx.msk [tilespmem:v19+s14+$0x0], $0xffff  }
0x80: {  	v19 =	vld.idx.msk [tilespmem:v19+s15+$0x0], $0xffff  }
0x81: {  	v18 =	vld.idx.msk [tilespmem:v18+s15+$0x0], $0xffff  }
0x82: {  	v13 =	vld.idx.msk [tilespmem:v13+s15+$0x0], $0xffff;
	v4 =	vmul.f32 v10, v4  }
0x83: {  	v11 =	vmul.f32 v17, v11  }
0x84: {  	v8 =	vmul.f32 v8, v21;
	v4 =	vadd.f32 v4, v6;
	v6 =	vmul.f32 v9, v7  }
0x85: {  	v16 =	vmul.f32 v20, v16;
	v11 =	vadd.f32 v11, v15;
	v15 =	vmul.f32 v19, v23  }
0x86: {  	v8 =	vadd.f32 v8, v14;
	v10 =	vmul.f32 v18, v22;
	v4 =	vadd.f32 v6, v4  }
0x87: {  	v5 =	vadd.f32 v16, v5;
	v12 =	vmul.f32 v13, v12;
	v11 =	vadd.f32 v15, v11  }
0x88: {  	v7 =	vadd.f32 v10, v8;
	[tilespmem:$0x9630] =	vst v4  }
0x89: {  	v5 =	vadd.f32 v12, v5;
	[tilespmem:$0x9600] =	vst v11  }
0x8a: {  	[tilespmem:$0x9610] =	vst v7  }
0x8b: {  	s23 =	simm.s32 $0x0;
	[tilespmem:$0x9620] =	vst v5  }
0x8c: {  	[hbm4b:s7+s23] =	stream.linear.scatter [tilespmem:s20], [sflag:$0x3], $0x40, $0x38;
	[tilespmem:$0x1CA68] =	vst v63  }
0x8d: {  	_ =	swait.ge [sflag:s12], $0x40  }
0x8e: {  	[sflag:s12] =	ssyncset.done $0x0  }
0x8f: {  	s24 =	rddreg [dreg:$0x8];
	[sflag:s12] =	ssyncadd.s32 $0xFFFFFFC0  }
0x90: {  	[tilespmem:s23], [sflag:$0x3] =	stream.linear.gather [hbm4b:s24+s23], $0x1900, $0x38;
	[tilespmem:$0x1CA68] =	vst v63  }
0x91: {  	_ =	swait.ge [sflag:s12], $0x1900  }
0x92: {  	[sflag:s12] =	ssyncset.done $0x0  }
0x93: {  	[sflag:s12] =	ssyncadd.s32 $0xFFFFE700  }
0x94: {  	[tilespmem:s14], [sflag:$0x1] =	stream.indirect.gather [spmem:s1], $0x1, s23, s13, $0xb8;
	[tilespmem:$0x1CA68] =	vst v63  }
0x95: {  	s25 =	rddreg [dreg:$0x9]  }
0x96: {  	[tilespmem:s15], [sflag:$0x3] =	stream.linear.gather [hbm4b:s25+s23], $0x1900, $0x38;
	[tilespmem:$0x1CA68] =	vst v63  }
0x97: {  	_ =	swait.ge [sflag:s12], $0x1900  }
0x98: {  	v5 =	vadd.s32 s23, v3;
	[sflag:s12] =	ssyncset.done $0x0  }
0x99: {  	[sflag:s12] =	ssyncadd.s32 $0xFFFFE700  }
0x9a: {  	v6 =	vadd.s32 s23, v2;
	_ =	swait.ge [sflag:s21], $0x1900  }
0x9b: {  	[sflag:s21] =	ssyncset.done $0x0  }
0x9c: {  	v7 =	vadd.s32 s23, v1;
	[sflag:s21] =	ssyncadd.s32 $0xFFFFE700  }
0x9d: {  	v4 =	vld.idx.msk [tilespmem:v5+s16+$0x0], $0xffff  }
0x9e: {  	v9 =	vadd.s32 s23, v0;
	v10 =	vld.idx.msk [tilespmem:v5+s17+$0x0], $0xffff  }
0x9f: {  	s25 =	simm.s32 $0x1;
	v16 =	vld.idx.msk [tilespmem:v6+s16+$0x0], $0xffff  }
0xa0: {  	v12 =	vadd.s32 s25, v3;
	v20 =	vld.idx.msk [tilespmem:v6+s17+$0x0], $0xffff  }
0xa1: {  	v21 =	vld.idx.msk [tilespmem:v7+s16+$0x0], $0xffff  }
0xa2: {  	v13 =	vadd.s32 s25, v2;
	v8 =	vld.idx.msk [tilespmem:v7+s17+$0x0], $0xffff  }
0xa3: {  	v11 =	vld.idx.msk [tilespmem:v9+s16+$0x0], $0xffff  }
0xa4: {  	v18 =	vadd.s32 s25, v1;
	v17 =	vld.idx.msk [tilespmem:v9+s17+$0x0], $0xffff  }
0xa5: {  	v7 =	vld.idx.msk [tilespmem:v12+s16+$0x0], $0xffff  }
0xa6: {  	v14 =	vimm.f32 $0.0e+00;
	v19 =	vadd.s32 s25, v0;
	v9 =	vld.idx.msk [tilespmem:v12+s17+$0x0], $0xffff  }
0xa7: {  	v15 =	vimm.f32 $0.0e+00;
	s23 =	simm.s32 $0x2;
	v5 =	vimm.f32 $0.0e+00;
	v12 =	vld.idx.msk [tilespmem:v13+s16+$0x0], $0xffff;
	v6 =	vimm.f32 $0.0e+00  }
.LBB2_4:
0xa8: {  	v22 =	vadd.s32 s23, v3;
	p2 =	sne.s32 s23, $0x63;
	v23 =	vld.idx.msk [tilespmem:v13+s17+$0x0], $0xffff  }
0xa9: {  	v16 =	vmul.f32 v20, v16;
	v25 =	vmul.f32 v10, v4;
	v24 =	vld.idx.msk [tilespmem:v18+s16+$0x0], $0xffff  }
0xaa: {  	v13 =	vadd.s32 s23, v2;
	v20 =	vmul.f32 v8, v21;
	v26 =	vmul.f32 v17, v11;
	v8 =	vld.idx.msk [tilespmem:v18+s17+$0x0], $0xffff  }
.Ltmp1:
0xab: {  	v5 =	vadd.f32 v16, v5;
	v6 =	vadd.f32 v25, v6;
	v4 =	vmov v7;
	v11 =	vld.idx.msk [tilespmem:v19+s16+$0x0], $0xffff;
	(pc) =	sbr.rel @p2 .LBB2_4-.Ltmp1, $4  }
0xac: {  	v18 =	vadd.s32 s23, v1;
	v14 =	vadd.f32 v20, v14;
	v15 =	vadd.f32 v26, v15;
	v10 =	vmovc v9;
	v17 =	vld.idx.msk [tilespmem:v19+s17+$0x0], $0xffff  }
0xad: {  	v16 =	vmov v12;
	v7 =	vld.idx.msk [tilespmem:v22+s16+$0x0], $0xffff  }
0xae: {  	v19 =	vadd.s32 s23, v0;
	v20 =	vmov v23;
	v9 =	vld.idx.msk [tilespmem:v22+s17+$0x0], $0xffff  }
0xaf: {  	s23 =	sadd.s32 $0x1, s23;
	v21 =	vmov v24;
	v12 =	vld.idx.msk [tilespmem:v13+s16+$0x0], $0xffff  }
0xb0: {  	_ =	sdelay $0x3  }
0xb1: {  	v22 =	vld.idx.msk [tilespmem:v18+s16+$0x0], $0xffff  }
0xb2: {  	v23 =	vld.idx.msk [tilespmem:v19+s16+$0x0], $0xffff  }
0xb3: {  	v19 =	vld.idx.msk [tilespmem:v19+s17+$0x0], $0xffff  }
0xb4: {  	v18 =	vld.idx.msk [tilespmem:v18+s17+$0x0], $0xffff  }
0xb5: {  	v13 =	vld.idx.msk [tilespmem:v13+s17+$0x0], $0xffff;
	v4 =	vmul.f32 v10, v4  }
0xb6: {  	v11 =	vmul.f32 v17, v11  }
0xb7: {  	v8 =	vmul.f32 v8, v21;
	v4 =	vadd.f32 v4, v6;
	v6 =	vmul.f32 v9, v7  }
0xb8: {  	v16 =	vmul.f32 v20, v16;
	v11 =	vadd.f32 v11, v15;
	v15 =	vmul.f32 v19, v23  }
0xb9: {  	v8 =	vadd.f32 v8, v14;
	v10 =	vmul.f32 v18, v22;
	v4 =	vadd.f32 v6, v4  }
0xba: {  	v5 =	vadd.f32 v16, v5;
	v12 =	vmul.f32 v13, v12;
	v11 =	vadd.f32 v15, v11  }
0xbb: {  	v7 =	vadd.f32 v10, v8;
	[tilespmem:$0x9630] =	vst v4  }
0xbc: {  	v5 =	vadd.f32 v12, v5;
	[tilespmem:$0x9600] =	vst v11  }
0xbd: {  	[tilespmem:$0x9610] =	vst v7  }
0xbe: {  	s23 =	simm.s32 $0x0;
	[tilespmem:$0x9620] =	vst v5  }
0xbf: {  	[hbm4b:s0+s23] =	stream.linear.scatter [tilespmem:s20], [sflag:$0x3], $0x40, $0x38;
	[tilespmem:$0x1CA68] =	vst v63  }
0xc0: {  	_ =	swait.ge [sflag:s12], $0x40  }
0xc1: {  	[sflag:s12] =	ssyncset.done $0x0  }
0xc2: {  	s24 =	rddreg [dreg:$0xa];
	[sflag:s12] =	ssyncadd.s32 $0xFFFFFFC0  }
0xc3: {  	[tilespmem:s13], [sflag:$0x3] =	stream.linear.gather [hbm4b:s24+s23], $0x1900, $0x38;
	[tilespmem:$0x1CA68] =	vst v63  }
0xc4: {  	_ =	swait.ge [sflag:s12], $0x1900  }
0xc5: {  	[sflag:s12] =	ssyncset.done $0x0  }
0xc6: {  	[sflag:s12] =	ssyncadd.s32 $0xFFFFE700  }
0xc7: {  	[tilespmem:s16], [sflag:$0x2] =	stream.indirect.gather [spmem:s1], $0x1, s13, s13, $0xb8;
	[tilespmem:$0x1CA68] =	vst v63  }
0xc8: {  	s25 =	rddreg [dreg:$0xb]  }
0xc9: {  	[tilespmem:s17], [sflag:$0x3] =	stream.linear.gather [hbm4b:s25+s23], $0x1900, $0x38;
	[tilespmem:$0x1CA68] =	vst v63  }
0xca: {  	_ =	swait.ge [sflag:s12], $0x1900  }
0xcb: {  	v5 =	vadd.s32 s23, v3;
	[sflag:s12] =	ssyncset.done $0x0  }
0xcc: {  	[sflag:s12] =	ssyncadd.s32 $0xFFFFE700  }
0xcd: {  	v6 =	vadd.s32 s23, v2;
	_ =	swait.ge [sflag:s18], $0x1900  }
0xce: {  	[sflag:s18] =	ssyncset.done $0x0  }
0xcf: {  	v7 =	vadd.s32 s23, v1;
	[sflag:s18] =	ssyncadd.s32 $0xFFFFE700  }
0xd0: {  	v4 =	vld.idx.msk [tilespmem:v5+s14+$0x0], $0xffff  }
0xd1: {  	v9 =	vadd.s32 s23, v0;
	v10 =	vld.idx.msk [tilespmem:v5+s15+$0x0], $0xffff  }
0xd2: {  	s25 =	simm.s32 $0x1;
	v16 =	vld.idx.msk [tilespmem:v6+s14+$0x0], $0xffff  }
0xd3: {  	v12 =	vadd.s32 s25, v3;
	v20 =	vld.idx.msk [tilespmem:v6+s15+$0x0], $0xffff  }
0xd4: {  	v21 =	vld.idx.msk [tilespmem:v7+s14+$0x0], $0xffff  }
0xd5: {  	v13 =	vadd.s32 s25, v2;
	v8 =	vld.idx.msk [tilespmem:v7+s15+$0x0], $0xffff  }
0xd6: {  	v11 =	vld.idx.msk [tilespmem:v9+s14+$0x0], $0xffff  }
0xd7: {  	v18 =	vadd.s32 s25, v1;
	v17 =	vld.idx.msk [tilespmem:v9+s15+$0x0], $0xffff  }
0xd8: {  	v7 =	vld.idx.msk [tilespmem:v12+s14+$0x0], $0xffff  }
0xd9: {  	v14 =	vimm.f32 $0.0e+00;
	v19 =	vadd.s32 s25, v0;
	v9 =	vld.idx.msk [tilespmem:v12+s15+$0x0], $0xffff  }
0xda: {  	v15 =	vimm.f32 $0.0e+00;
	s23 =	simm.s32 $0x2;
	v5 =	vimm.f32 $0.0e+00;
	v12 =	vld.idx.msk [tilespmem:v13+s14+$0x0], $0xffff;
	v6 =	vimm.f32 $0.0e+00  }
.LBB2_6:
0xdb: {  	v22 =	vadd.s32 s23, v3;
	p2 =	sne.s32 s23, $0x63;
	v23 =	vld.idx.msk [tilespmem:v13+s15+$0x0], $0xffff  }
0xdc: {  	v16 =	vmul.f32 v20, v16;
	v25 =	vmul.f32 v10, v4;
	v24 =	vld.idx.msk [tilespmem:v18+s14+$0x0], $0xffff  }
0xdd: {  	v13 =	vadd.s32 s23, v2;
	v20 =	vmul.f32 v8, v21;
	v26 =	vmul.f32 v17, v11;
	v8 =	vld.idx.msk [tilespmem:v18+s15+$0x0], $0xffff  }
.Ltmp2:
0xde: {  	v5 =	vadd.f32 v16, v5;
	v6 =	vadd.f32 v25, v6;
	v4 =	vmov v7;
	v11 =	vld.idx.msk [tilespmem:v19+s14+$0x0], $0xffff;
	(pc) =	sbr.rel @p2 .LBB2_6-.Ltmp2, $4  }
0xdf: {  	v18 =	vadd.s32 s23, v1;
	v14 =	vadd.f32 v20, v14;
	v15 =	vadd.f32 v26, v15;
	v10 =	vmovc v9;
	v17 =	vld.idx.msk [tilespmem:v19+s15+$0x0], $0xffff  }
0xe0: {  	v16 =	vmov v12;
	v7 =	vld.idx.msk [tilespmem:v22+s14+$0x0], $0xffff  }
0xe1: {  	v19 =	vadd.s32 s23, v0;
	v20 =	vmov v23;
	v9 =	vld.idx.msk [tilespmem:v22+s15+$0x0], $0xffff  }
0xe2: {  	s23 =	sadd.s32 $0x1, s23;
	v21 =	vmov v24;
	v12 =	vld.idx.msk [tilespmem:v13+s14+$0x0], $0xffff  }
0xe3: {  	_ =	sdelay $0x3  }
0xe4: {  	v22 =	vld.idx.msk [tilespmem:v18+s14+$0x0], $0xffff  }
0xe5: {  	v23 =	vld.idx.msk [tilespmem:v19+s14+$0x0], $0xffff  }
0xe6: {  	v19 =	vld.idx.msk [tilespmem:v19+s15+$0x0], $0xffff  }
0xe7: {  	v18 =	vld.idx.msk [tilespmem:v18+s15+$0x0], $0xffff  }
0xe8: {  	v13 =	vld.idx.msk [tilespmem:v13+s15+$0x0], $0xffff;
	v4 =	vmul.f32 v10, v4  }
0xe9: {  	v11 =	vmul.f32 v17, v11  }
0xea: {  	v8 =	vmul.f32 v8, v21;
	v4 =	vadd.f32 v4, v6;
	v6 =	vmul.f32 v9, v7  }
0xeb: {  	v16 =	vmul.f32 v20, v16;
	v11 =	vadd.f32 v11, v15;
	v15 =	vmul.f32 v19, v23  }
0xec: {  	v8 =	vadd.f32 v8, v14;
	v10 =	vmul.f32 v18, v22;
	v4 =	vadd.f32 v6, v4  }
0xed: {  	v5 =	vadd.f32 v16, v5;
	v12 =	vmul.f32 v13, v12;
	v11 =	vadd.f32 v15, v11  }
0xee: {  	v7 =	vadd.f32 v10, v8;
	[tilespmem:$0x9630] =	vst v4  }
0xef: {  	v5 =	vadd.f32 v12, v5;
	[tilespmem:$0x9600] =	vst v11  }
0xf0: {  	[tilespmem:$0x9610] =	vst v7  }
0xf1: {  	s23 =	simm.s32 $0x0;
	[tilespmem:$0x9620] =	vst v5  }
0xf2: {  	[hbm4b:s3+s23] =	stream.linear.scatter [tilespmem:s20], [sflag:$0x3], $0x40, $0x38;
	[tilespmem:$0x1CA68] =	vst v63  }
0xf3: {  	_ =	swait.ge [sflag:s12], $0x40  }
0xf4: {  	[sflag:s12] =	ssyncset.done $0x0  }
0xf5: {  	s24 =	rddreg [dreg:$0xc];
	[sflag:s12] =	ssyncadd.s32 $0xFFFFFFC0  }
0xf6: {  	[tilespmem:s23], [sflag:$0x3] =	stream.linear.gather [hbm4b:s24+s23], $0x1900, $0x38;
	[tilespmem:$0x1CA68] =	vst v63  }
0xf7: {  	_ =	swait.ge [sflag:s12], $0x1900  }
0xf8: {  	[sflag:s12] =	ssyncset.done $0x0  }
0xf9: {  	[sflag:s12] =	ssyncadd.s32 $0xFFFFE700  }
0xfa: {  	[tilespmem:s14], [sflag:$0x1] =	stream.indirect.gather [spmem:s1], $0x1, s23, s13, $0xb8;
	[tilespmem:$0x1CA68] =	vst v63  }
0xfb: {  	s25 =	rddreg [dreg:$0xd]  }
0xfc: {  	[tilespmem:s15], [sflag:$0x3] =	stream.linear.gather [hbm4b:s25+s23], $0x1900, $0x38;
	[tilespmem:$0x1CA68] =	vst v63  }
0xfd: {  	_ =	swait.ge [sflag:s12], $0x1900  }
0xfe: {  	v5 =	vadd.s32 s23, v3;
	[sflag:s12] =	ssyncset.done $0x0  }
0xff: {  	[sflag:s12] =	ssyncadd.s32 $0xFFFFE700  }
0x100: {  	v6 =	vadd.s32 s23, v2;
	_ =	swait.ge [sflag:s21], $0x1900  }
0x101: {  	[sflag:s21] =	ssyncset.done $0x0  }
0x102: {  	v7 =	vadd.s32 s23, v1;
	[sflag:s21] =	ssyncadd.s32 $0xFFFFE700  }
0x103: {  	v4 =	vld.idx.msk [tilespmem:v5+s16+$0x0], $0xffff  }
0x104: {  	v9 =	vadd.s32 s23, v0;
	v10 =	vld.idx.msk [tilespmem:v5+s17+$0x0], $0xffff  }
0x105: {  	s25 =	simm.s32 $0x1;
	v16 =	vld.idx.msk [tilespmem:v6+s16+$0x0], $0xffff  }
0x106: {  	v12 =	vadd.s32 s25, v3;
	v20 =	vld.idx.msk [tilespmem:v6+s17+$0x0], $0xffff  }
0x107: {  	v21 =	vld.idx.msk [tilespmem:v7+s16+$0x0], $0xffff  }
0x108: {  	v13 =	vadd.s32 s25, v2;
	v8 =	vld.idx.msk [tilespmem:v7+s17+$0x0], $0xffff  }
0x109: {  	v11 =	vld.idx.msk [tilespmem:v9+s16+$0x0], $0xffff  }
0x10a: {  	v18 =	vadd.s32 s25, v1;
	v17 =	vld.idx.msk [tilespmem:v9+s17+$0x0], $0xffff  }
0x10b: {  	v7 =	vld.idx.msk [tilespmem:v12+s16+$0x0], $0xffff  }
0x10c: {  	v14 =	vimm.f32 $0.0e+00;
	v19 =	vadd.s32 s25, v0;
	v9 =	vld.idx.msk [tilespmem:v12+s17+$0x0], $0xffff  }
0x10d: {  	v15 =	vimm.f32 $0.0e+00;
	s23 =	simm.s32 $0x2;
	v5 =	vimm.f32 $0.0e+00;
	v12 =	vld.idx.msk [tilespmem:v13+s16+$0x0], $0xffff;
	v6 =	vimm.f32 $0.0e+00  }
.LBB2_8:
0x10e: {  	v22 =	vadd.s32 s23, v3;
	p2 =	sne.s32 s23, $0x63;
	v23 =	vld.idx.msk [tilespmem:v13+s17+$0x0], $0xffff  }
0x10f: {  	v16 =	vmul.f32 v20, v16;
	v25 =	vmul.f32 v10, v4;
	v24 =	vld.idx.msk [tilespmem:v18+s16+$0x0], $0xffff  }
0x110: {  	v13 =	vadd.s32 s23, v2;
	v20 =	vmul.f32 v8, v21;
	v26 =	vmul.f32 v17, v11;
	v8 =	vld.idx.msk [tilespmem:v18+s17+$0x0], $0xffff  }
.Ltmp3:
0x111: {  	v5 =	vadd.f32 v16, v5;
	v6 =	vadd.f32 v25, v6;
	v4 =	vmov v7;
	v11 =	vld.idx.msk [tilespmem:v19+s16+$0x0], $0xffff;
	(pc) =	sbr.rel @p2 .LBB2_8-.Ltmp3, $4  }
0x112: {  	v18 =	vadd.s32 s23, v1;
	v14 =	vadd.f32 v20, v14;
	v15 =	vadd.f32 v26, v15;
	v10 =	vmovc v9;
	v17 =	vld.idx.msk [tilespmem:v19+s17+$0x0], $0xffff  }
0x113: {  	v16 =	vmov v12;
	v7 =	vld.idx.msk [tilespmem:v22+s16+$0x0], $0xffff  }
0x114: {  	v19 =	vadd.s32 s23, v0;
	v20 =	vmov v23;
	v9 =	vld.idx.msk [tilespmem:v22+s17+$0x0], $0xffff  }
0x115: {  	s23 =	sadd.s32 $0x1, s23;
	v21 =	vmov v24;
	v12 =	vld.idx.msk [tilespmem:v13+s16+$0x0], $0xffff  }
0x116: {  	_ =	sdelay $0x3  }
0x117: {  	v22 =	vld.idx.msk [tilespmem:v18+s16+$0x0], $0xffff  }
0x118: {  	v23 =	vld.idx.msk [tilespmem:v19+s16+$0x0], $0xffff  }
0x119: {  	v19 =	vld.idx.msk [tilespmem:v19+s17+$0x0], $0xffff  }
0x11a: {  	v18 =	vld.idx.msk [tilespmem:v18+s17+$0x0], $0xffff  }
0x11b: {  	v13 =	vld.idx.msk [tilespmem:v13+s17+$0x0], $0xffff;
	v4 =	vmul.f32 v10, v4  }
0x11c: {  	v11 =	vmul.f32 v17, v11  }
0x11d: {  	v8 =	vmul.f32 v8, v21;
	v4 =	vadd.f32 v4, v6;
	v6 =	vmul.f32 v9, v7  }
0x11e: {  	v16 =	vmul.f32 v20, v16;
	v11 =	vadd.f32 v11, v15;
	v15 =	vmul.f32 v19, v23  }
0x11f: {  	v8 =	vadd.f32 v8, v14;
	v10 =	vmul.f32 v18, v22;
	v4 =	vadd.f32 v6, v4  }
0x120: {  	v5 =	vadd.f32 v16, v5;
	v12 =	vmul.f32 v13, v12;
	v11 =	vadd.f32 v15, v11  }
0x121: {  	v7 =	vadd.f32 v10, v8;
	[tilespmem:$0x9630] =	vst v4  }
0x122: {  	v5 =	vadd.f32 v12, v5;
	[tilespmem:$0x9600] =	vst v11  }
0x123: {  	[tilespmem:$0x9610] =	vst v7  }
0x124: {  	s23 =	simm.s32 $0x0;
	[tilespmem:$0x9620] =	vst v5  }
0x125: {  	[hbm4b:s4+s23] =	stream.linear.scatter [tilespmem:s20], [sflag:$0x3], $0x40, $0x38;
	[tilespmem:$0x1CA68] =	vst v63  }
0x126: {  	_ =	swait.ge [sflag:s12], $0x40  }
0x127: {  	[sflag:s12] =	ssyncset.done $0x0  }
0x128: {  	s24 =	rddreg [dreg:$0xe];
	[sflag:s12] =	ssyncadd.s32 $0xFFFFFFC0  }
0x129: {  	[tilespmem:s13], [sflag:$0x3] =	stream.linear.gather [hbm4b:s24+s23], $0x1900, $0x38;
	[tilespmem:$0x1CA68] =	vst v63  }
0x12a: {  	_ =	swait.ge [sflag:s12], $0x1900  }
0x12b: {  	[sflag:s12] =	ssyncset.done $0x0  }
0x12c: {  	[sflag:s12] =	ssyncadd.s32 $0xFFFFE700  }
0x12d: {  	[tilespmem:s16], [sflag:$0x2] =	stream.indirect.gather [spmem:s1], $0x1, s13, s13, $0xb8;
	[tilespmem:$0x1CA68] =	vst v63  }
0x12e: {  	s25 =	rddreg [dreg:$0xf]  }
0x12f: {  	[tilespmem:s17], [sflag:$0x3] =	stream.linear.gather [hbm4b:s25+s23], $0x1900, $0x38;
	[tilespmem:$0x1CA68] =	vst v63  }
0x130: {  	_ =	swait.ge [sflag:s12], $0x1900  }
0x131: {  	v5 =	vadd.s32 s23, v3;
	[sflag:s12] =	ssyncset.done $0x0  }
0x132: {  	[sflag:s12] =	ssyncadd.s32 $0xFFFFE700  }
0x133: {  	v6 =	vadd.s32 s23, v2;
	_ =	swait.ge [sflag:s18], $0x1900  }
0x134: {  	[sflag:s18] =	ssyncset.done $0x0  }
0x135: {  	v7 =	vadd.s32 s23, v1;
	[sflag:s18] =	ssyncadd.s32 $0xFFFFE700  }
0x136: {  	v4 =	vld.idx.msk [tilespmem:v5+s14+$0x0], $0xffff  }
0x137: {  	v9 =	vadd.s32 s23, v0;
	v10 =	vld.idx.msk [tilespmem:v5+s15+$0x0], $0xffff  }
0x138: {  	s25 =	simm.s32 $0x1;
	v16 =	vld.idx.msk [tilespmem:v6+s14+$0x0], $0xffff  }
0x139: {  	v12 =	vadd.s32 s25, v3;
	v20 =	vld.idx.msk [tilespmem:v6+s15+$0x0], $0xffff  }
0x13a: {  	v21 =	vld.idx.msk [tilespmem:v7+s14+$0x0], $0xffff  }
0x13b: {  	v13 =	vadd.s32 s25, v2;
	v8 =	vld.idx.msk [tilespmem:v7+s15+$0x0], $0xffff  }
0x13c: {  	v11 =	vld.idx.msk [tilespmem:v9+s14+$0x0], $0xffff  }
0x13d: {  	v18 =	vadd.s32 s25, v1;
	v17 =	vld.idx.msk [tilespmem:v9+s15+$0x0], $0xffff  }
0x13e: {  	v7 =	vld.idx.msk [tilespmem:v12+s14+$0x0], $0xffff  }
0x13f: {  	v14 =	vimm.f32 $0.0e+00;
	v19 =	vadd.s32 s25, v0;
	v9 =	vld.idx.msk [tilespmem:v12+s15+$0x0], $0xffff  }
0x140: {  	v15 =	vimm.f32 $0.0e+00;
	s23 =	simm.s32 $0x2;
	v5 =	vimm.f32 $0.0e+00;
	v12 =	vld.idx.msk [tilespmem:v13+s14+$0x0], $0xffff;
	v6 =	vimm.f32 $0.0e+00  }
.LBB2_10:
0x141: {  	v22 =	vadd.s32 s23, v3;
	p2 =	sne.s32 s23, $0x63;
	v23 =	vld.idx.msk [tilespmem:v13+s15+$0x0], $0xffff  }
0x142: {  	v16 =	vmul.f32 v20, v16;
	v25 =	vmul.f32 v10, v4;
	v24 =	vld.idx.msk [tilespmem:v18+s14+$0x0], $0xffff  }
0x143: {  	v13 =	vadd.s32 s23, v2;
	v20 =	vmul.f32 v8, v21;
	v26 =	vmul.f32 v17, v11;
	v8 =	vld.idx.msk [tilespmem:v18+s15+$0x0], $0xffff  }
.Ltmp4:
0x144: {  	v5 =	vadd.f32 v16, v5;
	v6 =	vadd.f32 v25, v6;
	v4 =	vmov v7;
	v11 =	vld.idx.msk [tilespmem:v19+s14+$0x0], $0xffff;
	(pc) =	sbr.rel @p2 .LBB2_10-.Ltmp4, $4  }
0x145: {  	v18 =	vadd.s32 s23, v1;
	v14 =	vadd.f32 v20, v14;
	v15 =	vadd.f32 v26, v15;
	v10 =	vmovc v9;
	v17 =	vld.idx.msk [tilespmem:v19+s15+$0x0], $0xffff  }
0x146: {  	v16 =	vmov v12;
	v7 =	vld.idx.msk [tilespmem:v22+s14+$0x0], $0xffff  }
0x147: {  	v19 =	vadd.s32 s23, v0;
	v20 =	vmov v23;
	v9 =	vld.idx.msk [tilespmem:v22+s15+$0x0], $0xffff  }
0x148: {  	s23 =	sadd.s32 $0x1, s23;
	v21 =	vmov v24;
	v12 =	vld.idx.msk [tilespmem:v13+s14+$0x0], $0xffff  }
0x149: {  	_ =	sdelay $0x3  }
0x14a: {  	v22 =	vld.idx.msk [tilespmem:v18+s14+$0x0], $0xffff  }
0x14b: {  	v23 =	vld.idx.msk [tilespmem:v19+s14+$0x0], $0xffff  }
0x14c: {  	v19 =	vld.idx.msk [tilespmem:v19+s15+$0x0], $0xffff  }
0x14d: {  	v18 =	vld.idx.msk [tilespmem:v18+s15+$0x0], $0xffff  }
0x14e: {  	v13 =	vld.idx.msk [tilespmem:v13+s15+$0x0], $0xffff;
	v4 =	vmul.f32 v10, v4  }
0x14f: {  	v11 =	vmul.f32 v17, v11  }
0x150: {  	v8 =	vmul.f32 v8, v21;
	v4 =	vadd.f32 v4, v6;
	v6 =	vmul.f32 v9, v7  }
0x151: {  	v16 =	vmul.f32 v20, v16;
	v11 =	vadd.f32 v11, v15;
	v15 =	vmul.f32 v19, v23  }
0x152: {  	v8 =	vadd.f32 v8, v14;
	v10 =	vmul.f32 v18, v22;
	v4 =	vadd.f32 v6, v4  }
0x153: {  	v5 =	vadd.f32 v16, v5;
	v12 =	vmul.f32 v13, v12;
	v11 =	vadd.f32 v15, v11  }
0x154: {  	v7 =	vadd.f32 v10, v8;
	[tilespmem:$0x9630] =	vst v4  }
0x155: {  	v5 =	vadd.f32 v12, v5;
	[tilespmem:$0x9600] =	vst v11  }
0x156: {  	[tilespmem:$0x9610] =	vst v7  }
0x157: {  	s23 =	simm.s32 $0x0;
	[tilespmem:$0x9620] =	vst v5  }
0x158: {  	[hbm4b:s5+s23] =	stream.linear.scatter [tilespmem:s20], [sflag:$0x3], $0x40, $0x38;
	[tilespmem:$0x1CA68] =	vst v63  }
0x159: {  	_ =	swait.ge [sflag:s12], $0x40  }
0x15a: {  	[sflag:s12] =	ssyncset.done $0x0  }
0x15b: {  	s24 =	rddreg [dreg:$0x10];
	[sflag:s12] =	ssyncadd.s32 $0xFFFFFFC0  }
0x15c: {  	[tilespmem:s23], [sflag:$0x3] =	stream.linear.gather [hbm4b:s24+s23], $0x1900, $0x38;
	[tilespmem:$0x1CA68] =	vst v63  }
0x15d: {  	_ =	swait.ge [sflag:s12], $0x1900  }
0x15e: {  	[sflag:s12] =	ssyncset.done $0x0  }
0x15f: {  	[sflag:s12] =	ssyncadd.s32 $0xFFFFE700  }
0x160: {  	[tilespmem:s14], [sflag:$0x1] =	stream.indirect.gather [spmem:s1], $0x1, s23, s13, $0xb8;
	[tilespmem:$0x1CA68] =	vst v63  }
0x161: {  	s25 =	rddreg [dreg:$0x11]  }
0x162: {  	[tilespmem:s15], [sflag:$0x3] =	stream.linear.gather [hbm4b:s25+s23], $0x1900, $0x38;
	[tilespmem:$0x1CA68] =	vst v63  }
0x163: {  	_ =	swait.ge [sflag:s12], $0x1900  }
0x164: {  	v5 =	vadd.s32 s23, v3;
	[sflag:s12] =	ssyncset.done $0x0  }
0x165: {  	[sflag:s12] =	ssyncadd.s32 $0xFFFFE700  }
0x166: {  	v6 =	vadd.s32 s23, v2;
	_ =	swait.ge [sflag:s21], $0x1900  }
0x167: {  	[sflag:s21] =	ssyncset.done $0x0  }
0x168: {  	v7 =	vadd.s32 s23, v1;
	[sflag:s21] =	ssyncadd.s32 $0xFFFFE700  }
0x169: {  	v4 =	vld.idx.msk [tilespmem:v5+s16+$0x0], $0xffff  }
0x16a: {  	v9 =	vadd.s32 s23, v0;
	v10 =	vld.idx.msk [tilespmem:v5+s17+$0x0], $0xffff  }
0x16b: {  	s25 =	simm.s32 $0x1;
	v16 =	vld.idx.msk [tilespmem:v6+s16+$0x0], $0xffff  }
0x16c: {  	v12 =	vadd.s32 s25, v3;
	v20 =	vld.idx.msk [tilespmem:v6+s17+$0x0], $0xffff  }
0x16d: {  	v21 =	vld.idx.msk [tilespmem:v7+s16+$0x0], $0xffff  }
0x16e: {  	v13 =	vadd.s32 s25, v2;
	v8 =	vld.idx.msk [tilespmem:v7+s17+$0x0], $0xffff  }
0x16f: {  	v11 =	vld.idx.msk [tilespmem:v9+s16+$0x0], $0xffff  }
0x170: {  	v18 =	vadd.s32 s25, v1;
	v17 =	vld.idx.msk [tilespmem:v9+s17+$0x0], $0xffff  }
0x171: {  	v7 =	vld.idx.msk [tilespmem:v12+s16+$0x0], $0xffff  }
0x172: {  	v14 =	vimm.f32 $0.0e+00;
	v19 =	vadd.s32 s25, v0;
	v9 =	vld.idx.msk [tilespmem:v12+s17+$0x0], $0xffff  }
0x173: {  	v15 =	vimm.f32 $0.0e+00;
	s23 =	simm.s32 $0x2;
	v5 =	vimm.f32 $0.0e+00;
	v12 =	vld.idx.msk [tilespmem:v13+s16+$0x0], $0xffff;
	v6 =	vimm.f32 $0.0e+00  }
.LBB2_12:
0x174: {  	v22 =	vadd.s32 s23, v3;
	p2 =	sne.s32 s23, $0x63;
	v23 =	vld.idx.msk [tilespmem:v13+s17+$0x0], $0xffff  }
0x175: {  	v16 =	vmul.f32 v20, v16;
	v25 =	vmul.f32 v10, v4;
	v24 =	vld.idx.msk [tilespmem:v18+s16+$0x0], $0xffff  }
0x176: {  	v13 =	vadd.s32 s23, v2;
	v20 =	vmul.f32 v8, v21;
	v26 =	vmul.f32 v17, v11;
	v8 =	vld.idx.msk [tilespmem:v18+s17+$0x0], $0xffff  }
.Ltmp5:
0x177: {  	v5 =	vadd.f32 v16, v5;
	v6 =	vadd.f32 v25, v6;
	v4 =	vmov v7;
	v11 =	vld.idx.msk [tilespmem:v19+s16+$0x0], $0xffff;
	(pc) =	sbr.rel @p2 .LBB2_12-.Ltmp5, $4  }
0x178: {  	v18 =	vadd.s32 s23, v1;
	v14 =	vadd.f32 v20, v14;
	v15 =	vadd.f32 v26, v15;
	v10 =	vmovc v9;
	v17 =	vld.idx.msk [tilespmem:v19+s17+$0x0], $0xffff  }
0x179: {  	v16 =	vmov v12;
	v7 =	vld.idx.msk [tilespmem:v22+s16+$0x0], $0xffff  }
0x17a: {  	v19 =	vadd.s32 s23, v0;
	v20 =	vmov v23;
	v9 =	vld.idx.msk [tilespmem:v22+s17+$0x0], $0xffff  }
0x17b: {  	s23 =	sadd.s32 $0x1, s23;
	v21 =	vmov v24;
	v12 =	vld.idx.msk [tilespmem:v13+s16+$0x0], $0xffff  }
0x17c: {  	_ =	sdelay $0x3  }
0x17d: {  	v22 =	vld.idx.msk [tilespmem:v18+s16+$0x0], $0xffff  }
0x17e: {  	v23 =	vld.idx.msk [tilespmem:v19+s16+$0x0], $0xffff  }
0x17f: {  	v19 =	vld.idx.msk [tilespmem:v19+s17+$0x0], $0xffff  }
0x180: {  	v18 =	vld.idx.msk [tilespmem:v18+s17+$0x0], $0xffff  }
0x181: {  	v13 =	vld.idx.msk [tilespmem:v13+s17+$0x0], $0xffff;
	v4 =	vmul.f32 v10, v4  }
0x182: {  	v11 =	vmul.f32 v17, v11  }
0x183: {  	v8 =	vmul.f32 v8, v21;
	v4 =	vadd.f32 v4, v6;
	v6 =	vmul.f32 v9, v7  }
0x184: {  	v16 =	vmul.f32 v20, v16;
	v11 =	vadd.f32 v11, v15;
	v15 =	vmul.f32 v19, v23  }
0x185: {  	v8 =	vadd.f32 v8, v14;
	v10 =	vmul.f32 v18, v22;
	v4 =	vadd.f32 v6, v4  }
0x186: {  	v5 =	vadd.f32 v16, v5;
	v12 =	vmul.f32 v13, v12;
	v11 =	vadd.f32 v15, v11  }
0x187: {  	v7 =	vadd.f32 v10, v8;
	[tilespmem:$0x9630] =	vst v4  }
0x188: {  	v5 =	vadd.f32 v12, v5;
	[tilespmem:$0x9600] =	vst v11  }
0x189: {  	[tilespmem:$0x9610] =	vst v7  }
0x18a: {  	s23 =	simm.s32 $0x0;
	[tilespmem:$0x9620] =	vst v5  }
0x18b: {  	[hbm4b:s6+s23] =	stream.linear.scatter [tilespmem:s20], [sflag:$0x3], $0x40, $0x38;
	[tilespmem:$0x1CA68] =	vst v63  }
0x18c: {  	_ =	swait.ge [sflag:s12], $0x40  }
0x18d: {  	[sflag:s12] =	ssyncset.done $0x0  }
0x18e: {  	s24 =	rddreg [dreg:$0x12];
	[sflag:s12] =	ssyncadd.s32 $0xFFFFFFC0  }
0x18f: {  	[tilespmem:s13], [sflag:$0x3] =	stream.linear.gather [hbm4b:s24+s23], $0x1900, $0x38;
	[tilespmem:$0x1CA68] =	vst v63  }
0x190: {  	_ =	swait.ge [sflag:s12], $0x1900  }
0x191: {  	[sflag:s12] =	ssyncset.done $0x0  }
0x192: {  	[sflag:s12] =	ssyncadd.s32 $0xFFFFE700  }
0x193: {  	[tilespmem:s16], [sflag:$0x2] =	stream.indirect.gather [spmem:s1], $0x1, s13, s13, $0xb8;
	[tilespmem:$0x1CA68] =	vst v63  }
0x194: {  	s25 =	rddreg [dreg:$0x13]  }
0x195: {  	[tilespmem:s17], [sflag:$0x3] =	stream.linear.gather [hbm4b:s25+s23], $0x1900, $0x38;
	[tilespmem:$0x1CA68] =	vst v63  }
0x196: {  	_ =	swait.ge [sflag:s12], $0x1900  }
0x197: {  	v5 =	vadd.s32 s23, v3;
	[sflag:s12] =	ssyncset.done $0x0  }
0x198: {  	[sflag:s12] =	ssyncadd.s32 $0xFFFFE700  }
0x199: {  	v6 =	vadd.s32 s23, v2;
	_ =	swait.ge [sflag:s18], $0x1900  }
0x19a: {  	[sflag:s18] =	ssyncset.done $0x0  }
0x19b: {  	v7 =	vadd.s32 s23, v1;
	[sflag:s18] =	ssyncadd.s32 $0xFFFFE700  }
0x19c: {  	v4 =	vld.idx.msk [tilespmem:v5+s14+$0x0], $0xffff  }
0x19d: {  	v9 =	vadd.s32 s23, v0;
	v10 =	vld.idx.msk [tilespmem:v5+s15+$0x0], $0xffff  }
0x19e: {  	s25 =	simm.s32 $0x1;
	v16 =	vld.idx.msk [tilespmem:v6+s14+$0x0], $0xffff  }
0x19f: {  	v12 =	vadd.s32 s25, v3;
	v20 =	vld.idx.msk [tilespmem:v6+s15+$0x0], $0xffff  }
0x1a0: {  	v21 =	vld.idx.msk [tilespmem:v7+s14+$0x0], $0xffff  }
0x1a1: {  	v13 =	vadd.s32 s25, v2;
	v8 =	vld.idx.msk [tilespmem:v7+s15+$0x0], $0xffff  }
0x1a2: {  	v11 =	vld.idx.msk [tilespmem:v9+s14+$0x0], $0xffff  }
0x1a3: {  	v18 =	vadd.s32 s25, v1;
	v17 =	vld.idx.msk [tilespmem:v9+s15+$0x0], $0xffff  }
0x1a4: {  	v7 =	vld.idx.msk [tilespmem:v12+s14+$0x0], $0xffff  }
0x1a5: {  	v14 =	vimm.f32 $0.0e+00;
	v19 =	vadd.s32 s25, v0;
	v9 =	vld.idx.msk [tilespmem:v12+s15+$0x0], $0xffff  }
0x1a6: {  	v15 =	vimm.f32 $0.0e+00;
	s23 =	simm.s32 $0x2;
	v5 =	vimm.f32 $0.0e+00;
	v12 =	vld.idx.msk [tilespmem:v13+s14+$0x0], $0xffff;
	v6 =	vimm.f32 $0.0e+00  }
.LBB2_14:
0x1a7: {  	v22 =	vadd.s32 s23, v3;
	p2 =	sne.s32 s23, $0x63;
	v23 =	vld.idx.msk [tilespmem:v13+s15+$0x0], $0xffff  }
0x1a8: {  	v16 =	vmul.f32 v20, v16;
	v25 =	vmul.f32 v10, v4;
	v24 =	vld.idx.msk [tilespmem:v18+s14+$0x0], $0xffff  }
0x1a9: {  	v13 =	vadd.s32 s23, v2;
	v20 =	vmul.f32 v8, v21;
	v26 =	vmul.f32 v17, v11;
	v8 =	vld.idx.msk [tilespmem:v18+s15+$0x0], $0xffff  }
.Ltmp6:
0x1aa: {  	v5 =	vadd.f32 v16, v5;
	v6 =	vadd.f32 v25, v6;
	v4 =	vmov v7;
	v11 =	vld.idx.msk [tilespmem:v19+s14+$0x0], $0xffff;
	(pc) =	sbr.rel @p2 .LBB2_14-.Ltmp6, $4  }
0x1ab: {  	v18 =	vadd.s32 s23, v1;
	v14 =	vadd.f32 v20, v14;
	v15 =	vadd.f32 v26, v15;
	v10 =	vmovc v9;
	v17 =	vld.idx.msk [tilespmem:v19+s15+$0x0], $0xffff  }
0x1ac: {  	v16 =	vmov v12;
	v7 =	vld.idx.msk [tilespmem:v22+s14+$0x0], $0xffff  }
0x1ad: {  	v19 =	vadd.s32 s23, v0;
	v20 =	vmov v23;
	v9 =	vld.idx.msk [tilespmem:v22+s15+$0x0], $0xffff  }
0x1ae: {  	s23 =	sadd.s32 $0x1, s23;
	v21 =	vmov v24;
	v12 =	vld.idx.msk [tilespmem:v13+s14+$0x0], $0xffff  }
0x1af: {  	_ =	sdelay $0x3  }
0x1b0: {  	v22 =	vld.idx.msk [tilespmem:v18+s14+$0x0], $0xffff  }
0x1b1: {  	v23 =	vld.idx.msk [tilespmem:v19+s14+$0x0], $0xffff  }
0x1b2: {  	v19 =	vld.idx.msk [tilespmem:v19+s15+$0x0], $0xffff  }
0x1b3: {  	v18 =	vld.idx.msk [tilespmem:v18+s15+$0x0], $0xffff  }
0x1b4: {  	v13 =	vld.idx.msk [tilespmem:v13+s15+$0x0], $0xffff;
	v4 =	vmul.f32 v10, v4  }
0x1b5: {  	v11 =	vmul.f32 v17, v11  }
0x1b6: {  	v8 =	vmul.f32 v8, v21;
	v4 =	vadd.f32 v4, v6;
	v6 =	vmul.f32 v9, v7  }
0x1b7: {  	v16 =	vmul.f32 v20, v16;
	v11 =	vadd.f32 v11, v15;
	v15 =	vmul.f32 v19, v23  }
0x1b8: {  	v8 =	vadd.f32 v8, v14;
	v10 =	vmul.f32 v18, v22;
	v4 =	vadd.f32 v6, v4  }
0x1b9: {  	v5 =	vadd.f32 v16, v5;
	v12 =	vmul.f32 v13, v12;
	v11 =	vadd.f32 v15, v11  }
0x1ba: {  	v7 =	vadd.f32 v10, v8;
	[tilespmem:$0x9630] =	vst v4  }
0x1bb: {  	v5 =	vadd.f32 v12, v5;
	[tilespmem:$0x9600] =	vst v11  }
0x1bc: {  	[tilespmem:$0x9610] =	vst v7  }
0x1bd: {  	s23 =	simm.s32 $0x0;
	[tilespmem:$0x9620] =	vst v5  }
0x1be: {  	[hbm4b:s8+s23] =	stream.linear.scatter [tilespmem:s20], [sflag:$0x3], $0x40, $0x38;
	[tilespmem:$0x1CA68] =	vst v63  }
0x1bf: {  	_ =	swait.ge [sflag:s12], $0x40  }
0x1c0: {  	v5 =	vadd.s32 s23, v3;
	[sflag:s12] =	ssyncset.done $0x0  }
0x1c1: {  	[sflag:s12] =	ssyncadd.s32 $0xFFFFFFC0  }
0x1c2: {  	v6 =	vadd.s32 s23, v2;
	_ =	swait.ge [sflag:s21], $0x1900  }
0x1c3: {  	[sflag:s21] =	ssyncset.done $0x0  }
0x1c4: {  	v7 =	vadd.s32 s23, v1;
	[sflag:s21] =	ssyncadd.s32 $0xFFFFE700  }
0x1c5: {  	v4 =	vld.idx.msk [tilespmem:v5+s16+$0x0], $0xffff  }
0x1c6: {  	v9 =	vadd.s32 s23, v0;
	v10 =	vld.idx.msk [tilespmem:v5+s17+$0x0], $0xffff  }
0x1c7: {  	s25 =	simm.s32 $0x1;
	v16 =	vld.idx.msk [tilespmem:v6+s16+$0x0], $0xffff  }
0x1c8: {  	v12 =	vadd.s32 s25, v3;
	v20 =	vld.idx.msk [tilespmem:v6+s17+$0x0], $0xffff  }
0x1c9: {  	v21 =	vld.idx.msk [tilespmem:v7+s16+$0x0], $0xffff  }
0x1ca: {  	v13 =	vadd.s32 s25, v2;
	v8 =	vld.idx.msk [tilespmem:v7+s17+$0x0], $0xffff  }
0x1cb: {  	v11 =	vld.idx.msk [tilespmem:v9+s16+$0x0], $0xffff  }
0x1cc: {  	v18 =	vadd.s32 s25, v1;
	v17 =	vld.idx.msk [tilespmem:v9+s17+$0x0], $0xffff  }
0x1cd: {  	v7 =	vld.idx.msk [tilespmem:v12+s16+$0x0], $0xffff  }
0x1ce: {  	v14 =	vimm.f32 $0.0e+00;
	v19 =	vadd.s32 s25, v0;
	v9 =	vld.idx.msk [tilespmem:v12+s17+$0x0], $0xffff  }
0x1cf: {  	v15 =	vimm.f32 $0.0e+00;
	s23 =	simm.s32 $0x2;
	v5 =	vimm.f32 $0.0e+00;
	v12 =	vld.idx.msk [tilespmem:v13+s16+$0x0], $0xffff;
	v6 =	vimm.f32 $0.0e+00  }
.LBB2_16:
0x1d0: {  	v22 =	vadd.s32 s23, v3;
	p2 =	sne.s32 s23, $0x63;
	v23 =	vld.idx.msk [tilespmem:v13+s17+$0x0], $0xffff  }
0x1d1: {  	v16 =	vmul.f32 v20, v16;
	v25 =	vmul.f32 v10, v4;
	v24 =	vld.idx.msk [tilespmem:v18+s16+$0x0], $0xffff  }
0x1d2: {  	v13 =	vadd.s32 s23, v2;
	v20 =	vmul.f32 v8, v21;
	v26 =	vmul.f32 v17, v11;
	v8 =	vld.idx.msk [tilespmem:v18+s17+$0x0], $0xffff  }
.Ltmp7:
0x1d3: {  	v5 =	vadd.f32 v16, v5;
	v6 =	vadd.f32 v25, v6;
	v4 =	vmov v7;
	v11 =	vld.idx.msk [tilespmem:v19+s16+$0x0], $0xffff;
	(pc) =	sbr.rel @p2 .LBB2_16-.Ltmp7, $4  }
0x1d4: {  	v18 =	vadd.s32 s23, v1;
	v14 =	vadd.f32 v20, v14;
	v15 =	vadd.f32 v26, v15;
	v10 =	vmovc v9;
	v17 =	vld.idx.msk [tilespmem:v19+s17+$0x0], $0xffff  }
0x1d5: {  	v16 =	vmov v12;
	v7 =	vld.idx.msk [tilespmem:v22+s16+$0x0], $0xffff  }
0x1d6: {  	v19 =	vadd.s32 s23, v0;
	v20 =	vmov v23;
	v9 =	vld.idx.msk [tilespmem:v22+s17+$0x0], $0xffff  }
0x1d7: {  	s23 =	sadd.s32 $0x1, s23;
	v21 =	vmov v24;
	v12 =	vld.idx.msk [tilespmem:v13+s16+$0x0], $0xffff  }
0x1d8: {  	_ =	sdelay $0x3  }
0x1d9: {  	v22 =	vld.idx.msk [tilespmem:v18+s16+$0x0], $0xffff  }
0x1da: {  	v23 =	vld.idx.msk [tilespmem:v19+s16+$0x0], $0xffff  }
0x1db: {  	v58 =	vld.idx.msk [tilespmem:v19+s17+$0x0], $0xffff  }
0x1dc: {  	v59 =	vld.idx.msk [tilespmem:v18+s17+$0x0], $0xffff  }
0x1dd: {  	v13 =	vld.idx.msk [tilespmem:v13+s17+$0x0], $0xffff;
	v4 =	vmul.f32 v10, v4  }
0x1de: {  	v11 =	vmul.f32 v17, v11  }
0x1df: {  	v8 =	vmul.f32 v8, v21;
	v4 =	vadd.f32 v4, v6;
	v62 =	vmul.f32 v9, v7  }
0x1e0: {  	v16 =	vmul.f32 v20, v16;
	v11 =	vadd.f32 v11, v15;
	v60 =	vmul.f32 v58, v23  }
0x1e1: {  	v8 =	vadd.f32 v8, v14;
	v61 =	vmul.f32 v59, v22;
	v4 =	vadd.f32 v62, v4  }
0x1e2: {  	v5 =	vadd.f32 v16, v5;
	v12 =	vmul.f32 v13, v12;
	v11 =	vadd.f32 v60, v11  }
0x1e3: {  	v63 =	vadd.f32 v61, v8;
	[tilespmem:$0x9630] =	vst v4  }
0x1e4: {  	s22 =	sadd.s32 $0x1, s22;
	v5 =	vadd.f32 v12, v5;
	[tilespmem:$0x9600] =	vst v11  }
0x1e5: {  	p2 =	sne.s32 s22, s26;
	[tilespmem:$0x9610] =	vst v63  }
.Ltmp8:
0x1e6: {  	[tilespmem:$0x9620] =	vst v5;
	(pc) =	sbr.rel @p2 .LBB2_1-.Ltmp8, $4  }
0x1e7: {  	[hbm4b:s9+s2] =	stream.linear.scatter [tilespmem:s20], [sflag:$0x3], $0x40, $0x38;
	[tilespmem:$0x1CA68] =	vst v63  }
0x1e8: {  	_ =	swait.ge [sflag:s12], $0x40  }
0x1e9: {  	[sflag:s12] =	ssyncset.done $0x0  }
0x1ea: {  	[sflag:s12] =	ssyncadd.s32 $0xFFFFFFC0  }
0x1eb: {  	_ =	sfence.sel $0x180000  }
0x1ec: {  	[bflag:$0x0] =	sbarrier.arrive $0xFFFF  }
0x1ed: {  	_ =	strace $0x90000047  }
0x1ee: {  	s0 =	stileid.u32;
	[bflag:$0x2] =	sbarrier.arrive $0xFFFF  }
0x1ef: {  	p0 =	sne.s32 s0, $0x0;
	s0 =	rddreg [dreg:$0x3]  }
0x1f0: {  	s0 =	sadd.s32 @!p0 $0x100000, s0  }
0x1f1: {  	[sflag:s0] =	ssyncadd.tile.s32 @!p0 $0x1;
	_ =	shalt  }
.Lfunc_end2:
_tile_overlayer_lowered:
.L_overlay_start_2:
0x1f2: {  	(tag) =	ssettag $0x2  }
0x1f3: {  	s0 =	rddreg [dreg:$0x0];
	s2 =	stileid.u32  }
0x1f4: {  	s1 =	rddreg [dreg:$0x1];
	p0 =	sne.s32 s2, $0x0  }
0x1f5: {  	s3 =	rddreg [dreg:$0x2];
	[bflag:$0x3] =	sbarrier.arrive $0xFFFF;
	s2 =	simm.s32 @!p0 $0x1C03  }
0x1f6: {  	[timem:s3], [sflag:s2] =	dma.local @!p0 [hbm:s0], s1  }
0x1f7: {  	s0 =	simm.s32 @!p0 $0x3  }
0x1f8: {  	_ =	swait.ge @!p0 [sflag:s0], s1  }
0x1f9: {  	s1 =	ssub.s32 @!p0 $0x0, s1;
	[sflag:s0] =	ssyncset.done @!p0 $0x0  }
0x1fa: {  	[sflag:s0] =	ssyncadd.s32 @!p0 s1  }
0x1fb: {  	[bflag:$0x3] =	sbarrier.arrive $0xFFFF  }
0x1fc: {  	_ =	shalt  }

</sc_bundles>
